<compile_context>
chip_gen: v7x
topology: tpu7x:2x2x1
jax: 0.10.2.dev20260603
libtpu: 0.0.44.dev20260713+nightly
codegen_flags: <defaults>
</compile_context>

<pallas_src>
import functools

import jax
import jax.numpy as jnp
from jax import lax
from jax.experimental import pallas as pl
from jax.experimental.pallas import tpu as pltpu
from jax.experimental.pallas import tpu_sc as plsc

N = 10000
E = 320000
D = 128
SCALE = 0.1

NC = 2
NS = 16
NW = NC * NS
N_PAD = 10240
ROWS_PER_T = N_PAD // NS
CHUNK = 80
NCHUNK = 126
EDGES_PER_W = NCHUNK * CHUNK
E_PAD = NW * EDGES_PER_W

ROW_BLK = 1000


def _proj_body(f_ref, w_ref, y_ref):
    x = f_ref[...] * SCALE
    w1 = w_ref[:D, :]
    w2 = w_ref[D:, :]
    y_ref[...] = (jnp.dot(x, w1, preferred_element_type=jnp.float32)
                  + jnp.dot(x * x, w2, preferred_element_type=jnp.float32))


_proj = pl.pallas_call(
    _proj_body,
    grid=(N // ROW_BLK,),
    in_specs=[
        pl.BlockSpec((ROW_BLK, D), lambda i: (i, 0)),
        pl.BlockSpec((2 * D, D), lambda i: (0, 0)),
    ],
    out_specs=pl.BlockSpec((ROW_BLK, D), lambda i: (i, 0)),
    out_shape=jax.ShapeDtypeStruct((N, D), jnp.float32),
)


_sc_mesh = plsc.VectorSubcoreMesh(core_axis_name="c", subcore_axis_name="s")


@functools.partial(
    pl.kernel,
    mesh=_sc_mesh,
    out_type=jax.ShapeDtypeStruct((NC, N_PAD, D), jnp.float32),
    scratch_types=[
        pltpu.VMEM((CHUNK,), jnp.int32),
        pltpu.VMEM((CHUNK,), jnp.int32),
        pltpu.VMEM((CHUNK,), jnp.int32),
        pltpu.VMEM((CHUNK,), jnp.int32),
        pltpu.VMEM((CHUNK, D), jnp.float32),
        pltpu.VMEM((CHUNK, D), jnp.float32),
        pltpu.VMEM_SHARED((N_PAD, D), jnp.float32),
        pltpu.SemaphoreType.DMA,
        pltpu.SemaphoreType.DMA,
    ],
)
def _sc_scatter(y_hbm, src_hbm, dst_hbm, zeros_hbm, out_hbm,
                sidxA, didxA, sidxB, didxB, rowsA, rowsB, acc, semA, semB):
    cid = lax.axis_index("c")
    sid = lax.axis_index("s")
    w = cid * NS + sid

    rbase = sid * ROWS_PER_T

    def zbody(k, carry):
        rb = rbase + k * CHUNK
        pltpu.sync_copy(zeros_hbm.at[pl.ds(rb, CHUNK)], rowsA)
        pltpu.sync_copy(rowsA, acc.at[pl.ds(rb, CHUNK)])
        return carry

    lax.fori_loop(0, ROWS_PER_T // CHUNK, zbody, 0)
    plsc.subcore_barrier()

    ebase = w * EDGES_PER_W

    def load_idx(c, si, di):
        off = ebase + c * CHUNK
        pltpu.sync_copy(src_hbm.at[pl.ds(off, CHUNK)], si)
        pltpu.sync_copy(dst_hbm.at[pl.ds(off, CHUNK)], di)

    load_idx(0, sidxA, didxA)
    pltpu.async_copy(y_hbm.at[sidxA], rowsA, semA)
    load_idx(1, sidxB, didxB)
    pltpu.async_copy(y_hbm.at[sidxB], rowsB, semB)

    def pbody(jj, carry):
        c = 2 * jj
        pltpu.make_async_copy(y_hbm.at[sidxA], rowsA, semA).wait()
        pltpu.sync_copy(rowsA, acc.at[didxA], add=True)
        load_idx(c + 2, sidxA, didxA)
        pltpu.async_copy(y_hbm.at[sidxA], rowsA, semA)
        pltpu.make_async_copy(y_hbm.at[sidxB], rowsB, semB).wait()
        pltpu.sync_copy(rowsB, acc.at[didxB], add=True)
        load_idx(c + 3, sidxB, didxB)
        pltpu.async_copy(y_hbm.at[sidxB], rowsB, semB)
        return carry

    lax.fori_loop(0, NCHUNK // 2 - 1, pbody, 0)

    pltpu.make_async_copy(y_hbm.at[sidxA], rowsA, semA).wait()
    pltpu.sync_copy(rowsA, acc.at[didxA], add=True)
    pltpu.make_async_copy(y_hbm.at[sidxB], rowsB, semB).wait()
    pltpu.sync_copy(rowsB, acc.at[didxB], add=True)

    plsc.subcore_barrier()

    def wbody(k, carry):
        rb = rbase + k * CHUNK
        pltpu.sync_copy(acc.at[pl.ds(rb, CHUNK)], rowsA)
        pltpu.sync_copy(rowsA, out_hbm.at[cid, pl.ds(rb, CHUNK)])
        return carry

    lax.fori_loop(0, ROWS_PER_T // CHUNK, wbody, 0)


def _comb_body(p_ref, y_ref, o_ref):
    o_ref[...] = p_ref[0] + p_ref[1] + y_ref[...]


_comb = pl.pallas_call(
    _comb_body,
    grid=(N // ROW_BLK,),
    in_specs=[
        pl.BlockSpec((NC, ROW_BLK, D), lambda i: (0, i, 0)),
        pl.BlockSpec((ROW_BLK, D), lambda i: (i, 0)),
    ],
    out_specs=pl.BlockSpec((ROW_BLK, D), lambda i: (i, 0)),
    out_shape=jax.ShapeDtypeStruct((N, D), jnp.float32),
)


def kernel(features, edge_index, W):
    pad = E_PAD - E
    src = jnp.concatenate([edge_index[0], jnp.zeros((pad,), jnp.int32)])
    dst = jnp.concatenate([edge_index[1],
                           jnp.full((pad,), N_PAD - 1, jnp.int32)])
    y = _proj(features, W)
    zeros = jnp.zeros((N_PAD, D), jnp.float32)
    parts = _sc_scatter(y, src, dst, zeros)
    return _comb(parts, y)

# --- scband reference (transcript-rebuilt; emitter-appended) ---
"""Pipeline reference for scband-wlskernel-layer-49065706389980 (READ-ONLY COPY).

The authoritative reference and input builder live on the scoring server;
editing this copy changes nothing except your own understanding.
"""

import jax, jax.numpy as jnp
import numpy as np

N = 10000
E = 320000
IN_DIM = 128
OUT_DIM = 128
ORDER = 2
SCALE = 0.1
CAT_SCALE = 0.0


def setup_inputs(seed: int = 0) -> dict:
    key = jax.random.key(seed)
    k1, k2, k3 = jax.random.split(key, 3)
    features = jax.random.normal(k1, (N, IN_DIM), dtype=jnp.float32)
    edge_index = jax.random.randint(k2, (2, E), 0, N, dtype=jnp.int32)
    # RandomProjection: gaussian random unit vectors (columns normalized)
    W = jax.random.normal(k3, (ORDER * IN_DIM, OUT_DIM), dtype=jnp.float32)
    W = W / jnp.linalg.norm(W, axis=0, keepdims=True)
    return {"features": features, "edge_index": edge_index, "W": W}


def _expand(x):
    # polynomial kernel explicit lift: concat of elementwise powers 1..ORDER
    return jnp.concatenate([x ** (p + 1) for p in range(ORDER)], axis=-1)


def reference(features, edge_index, W):
    x = features * SCALE
    expanded = _expand(x)
    src = edge_index[0]
    dst = edge_index[1]
    # graph.update_all(copy_src, sum): h[v] = sum_{(u,v) in E} expanded[u]
    msg = jnp.take(expanded, src, axis=0)
    agg = jax.ops.segment_sum(msg, dst, num_segments=N)
    # cat_scale == 0.0 branch: aggregated + expanded
    h = agg + expanded
    # reduction via random projection
    out = h @ W
    return out

if __name__ == "__main__":
    import jax
    _d = setup_inputs()
    print(jax.jit(kernel)(*tuple(_d.values())))

</pallas_src>

<mosaic_0001>
#map = affine_map<(d0, d1) -> (0, 0)>
#map1 = affine_map<(d0, d1) -> (0)>
#map2 = affine_map<(d0, d1) -> (0, 0, 0)>
module attributes {stable_mosaic.version = 14 : i64} {
  func.func @_sc_scatter(%arg0: i32, %arg1: i32, %arg2: memref<10000x128xf32, #tpu.memory_space<hbm>>, %arg3: memref<322560xi32, #tpu.memory_space<hbm>>, %arg4: memref<322560xi32, #tpu.memory_space<hbm>>, %arg5: memref<10240x128xf32, #tpu.memory_space<hbm>>, %arg6: memref<2x10240x128xf32, #tpu.memory_space<hbm>>, %arg7: memref<80xi32, #tpu.memory_space<vmem>>, %arg8: memref<80xi32, #tpu.memory_space<vmem>>, %arg9: memref<80xi32, #tpu.memory_space<vmem>>, %arg10: memref<80xi32, #tpu.memory_space<vmem>>, %arg11: memref<80x128xf32, #tpu.memory_space<vmem>>, %arg12: memref<80x128xf32, #tpu.memory_space<vmem>>, %arg13: memref<10240x128xf32, #tpu.memory_space<vmem_shared>>, %arg14: memref<!tpu.dma_semaphore, #tpu.memory_space<semaphore_mem>>, %arg15: memref<!tpu.dma_semaphore, #tpu.memory_space<semaphore_mem>>) attributes {dimension_semantics = [#tpu.dimension_semantics<core_parallel>, #tpu.dimension_semantics<subcore_parallel>], iteration_bounds = array<i64: 2, 16>, scalar_prefetch = 0 : i64, scratch_operands = 9 : i64, tpu.core_type = #tpu.core_type<sc_vector_subcore>, window_params = [{transform_indices = #map}, {transform_indices = #map1}, {transform_indices = #map1}, {transform_indices = #map}, {transform_indices = #map2}]} {
    %mul3A = arith.constant 16 : i32
    %mul3A_0 = arith.muli %arg0, %mul3A : i32
    %add3A = arith.addi %mul3A_0, %arg1 : i32
    %mul3A_1 = arith.constant 640 : i32
    %mul3A_2 = arith.muli %arg1, %mul3A_1 : i32
    %scan3A = arith.constant 0 : i32
    %scan3A_3 = arith.constant 0 : i32
    %scan3A_4 = arith.constant 8 : i32
    %scan3A_5 = arith.addi %scan3A_3, %scan3A_4 : i32
    %scan3A_6 = arith.constant 1 : i32
    scf.for %scan3A_37 = %scan3A_3 to %scan3A_5 step %scan3A_6  : i32 {
      %mul3A_38 = arith.constant 80 : i32
      %mul3A_39 = arith.muli %scan3A_37, %mul3A_38 : i32
      %add3A_40 = arith.addi %mul3A_2, %mul3A_39 : i32
      "tpu.region"() ({
        %run_scoped3A = tpu.sem_alloc : memref<!tpu.dma_semaphore, #tpu.memory_space<semaphore_mem>>
        %dma_start3A_41 = arith.constant 0 : i32
        %dma_start3A_42 = tpu.memref_slice %arg5[%add3A_40, %dma_start3A_41] : memref<10240x128xf32, #tpu.memory_space<hbm>> -> memref<80x128xf32, #tpu.memory_space<hbm>>
        %dma_start3A_43 = arith.constant 0 : i32
        %dma_start3A_44 = tpu.memref_slice %arg5[%add3A_40, %dma_start3A_43] : memref<10240x128xf32, #tpu.memory_space<hbm>> -> memref<80x128xf32, #tpu.memory_space<hbm>>
        tpu.enqueue_dma source(%dma_start3A_44 : memref<80x128xf32, #tpu.memory_space<hbm>>) target(%arg11 : memref<80x128xf32, #tpu.memory_space<vmem>>) target_semaphore(%run_scoped3A : memref<!tpu.dma_semaphore, #tpu.memory_space<semaphore_mem>>)
        %dma_wait3A_45 = arith.constant 0 : i32
        %dma_wait3A_46 = tpu.memref_slice %arg5[%add3A_40, %dma_wait3A_45] : memref<10240x128xf32, #tpu.memory_space<hbm>> -> memref<80x128xf32, #tpu.memory_space<hbm>>
        %dma_wait3A_47 = arith.constant 0 : i32
        %dma_wait3A_48 = tpu.memref_slice %arg5[%add3A_40, %dma_wait3A_47] : memref<10240x128xf32, #tpu.memory_space<hbm>> -> memref<80x128xf32, #tpu.memory_space<hbm>>
        tpu.wait_dma2 semaphore(%run_scoped3A : memref<!tpu.dma_semaphore, #tpu.memory_space<semaphore_mem>>) src(%dma_wait3A_48 : memref<80x128xf32, #tpu.memory_space<hbm>>) dst(%arg11 : memref<80x128xf32, #tpu.memory_space<vmem>>)
        tpu.yield
      }) : () -> ()
      "tpu.region"() ({
        %run_scoped3A = tpu.sem_alloc : memref<!tpu.dma_semaphore, #tpu.memory_space<semaphore_mem>>
        %dma_start3A_41 = arith.constant 0 : i32
        %dma_start3A_42 = tpu.memref_slice %arg13[%add3A_40, %dma_start3A_41] : memref<10240x128xf32, #tpu.memory_space<vmem_shared>> -> memref<80x128xf32, #tpu.memory_space<vmem_shared>>
        %dma_start3A_43 = arith.constant 0 : i32
        %dma_start3A_44 = tpu.memref_slice %arg13[%add3A_40, %dma_start3A_43] : memref<10240x128xf32, #tpu.memory_space<vmem_shared>> -> memref<80x128xf32, #tpu.memory_space<vmem_shared>>
        tpu.enqueue_dma source(%arg11 : memref<80x128xf32, #tpu.memory_space<vmem>>) target(%dma_start3A_44 : memref<80x128xf32, #tpu.memory_space<vmem_shared>>) target_semaphore(%run_scoped3A : memref<!tpu.dma_semaphore, #tpu.memory_space<semaphore_mem>>)
        %dma_wait3A_45 = arith.constant 0 : i32
        %dma_wait3A_46 = tpu.memref_slice %arg13[%add3A_40, %dma_wait3A_45] : memref<10240x128xf32, #tpu.memory_space<vmem_shared>> -> memref<80x128xf32, #tpu.memory_space<vmem_shared>>
        %dma_wait3A_47 = arith.constant 0 : i32
        %dma_wait3A_48 = tpu.memref_slice %arg13[%add3A_40, %dma_wait3A_47] : memref<10240x128xf32, #tpu.memory_space<vmem_shared>> -> memref<80x128xf32, #tpu.memory_space<vmem_shared>>
        tpu.wait_dma2 semaphore(%run_scoped3A : memref<!tpu.dma_semaphore, #tpu.memory_space<semaphore_mem>>) src(%arg11 : memref<80x128xf32, #tpu.memory_space<vmem>>) dst(%dma_wait3A_48 : memref<80x128xf32, #tpu.memory_space<vmem_shared>>)
        tpu.yield
      }) : () -> ()
    }
    %scan3A_7 = arith.constant 8 : i32
    %barrier3A = arith.constant 0 : index
    tpu.barrier barrier_id(%barrier3A)
    %mul3A_8 = arith.constant 10080 : i32
    %mul3A_9 = arith.muli %add3A, %mul3A_8 : i32
    %add3A_10 = arith.constant 0 : i32
    %add3A_11 = arith.addi %mul3A_9, %add3A_10 : i32
    "tpu.region"() ({
      %run_scoped3A = tpu.sem_alloc : memref<!tpu.dma_semaphore, #tpu.memory_space<semaphore_mem>>
      %dma_start3A_37 = tpu.memref_slice %arg3[%add3A_11] : memref<322560xi32, #tpu.memory_space<hbm>> -> memref<80xi32, #tpu.memory_space<hbm>>
      %dma_start3A_38 = tpu.memref_slice %arg3[%add3A_11] : memref<322560xi32, #tpu.memory_space<hbm>> -> memref<80xi32, #tpu.memory_space<hbm>>
      tpu.enqueue_dma source(%dma_start3A_38 : memref<80xi32, #tpu.memory_space<hbm>>) target(%arg7 : memref<80xi32, #tpu.memory_space<vmem>>) target_semaphore(%run_scoped3A : memref<!tpu.dma_semaphore, #tpu.memory_space<semaphore_mem>>)
      %dma_wait3A_39 = tpu.memref_slice %arg3[%add3A_11] : memref<322560xi32, #tpu.memory_space<hbm>> -> memref<80xi32, #tpu.memory_space<hbm>>
      %dma_wait3A_40 = tpu.memref_slice %arg3[%add3A_11] : memref<322560xi32, #tpu.memory_space<hbm>> -> memref<80xi32, #tpu.memory_space<hbm>>
      tpu.wait_dma2 semaphore(%run_scoped3A : memref<!tpu.dma_semaphore, #tpu.memory_space<semaphore_mem>>) src(%dma_wait3A_40 : memref<80xi32, #tpu.memory_space<hbm>>) dst(%arg7 : memref<80xi32, #tpu.memory_space<vmem>>)
      tpu.yield
    }) : () -> ()
    "tpu.region"() ({
      %run_scoped3A = tpu.sem_alloc : memref<!tpu.dma_semaphore, #tpu.memory_space<semaphore_mem>>
      %dma_start3A_37 = tpu.memref_slice %arg4[%add3A_11] : memref<322560xi32, #tpu.memory_space<hbm>> -> memref<80xi32, #tpu.memory_space<hbm>>
      %dma_start3A_38 = tpu.memref_slice %arg4[%add3A_11] : memref<322560xi32, #tpu.memory_space<hbm>> -> memref<80xi32, #tpu.memory_space<hbm>>
      tpu.enqueue_dma source(%dma_start3A_38 : memref<80xi32, #tpu.memory_space<hbm>>) target(%arg8 : memref<80xi32, #tpu.memory_space<vmem>>) target_semaphore(%run_scoped3A : memref<!tpu.dma_semaphore, #tpu.memory_space<semaphore_mem>>)
      %dma_wait3A_39 = tpu.memref_slice %arg4[%add3A_11] : memref<322560xi32, #tpu.memory_space<hbm>> -> memref<80xi32, #tpu.memory_space<hbm>>
      %dma_wait3A_40 = tpu.memref_slice %arg4[%add3A_11] : memref<322560xi32, #tpu.memory_space<hbm>> -> memref<80xi32, #tpu.memory_space<hbm>>
      tpu.wait_dma2 semaphore(%run_scoped3A : memref<!tpu.dma_semaphore, #tpu.memory_space<semaphore_mem>>) src(%dma_wait3A_40 : memref<80xi32, #tpu.memory_space<hbm>>) dst(%arg8 : memref<80xi32, #tpu.memory_space<vmem>>)
      tpu.yield
    }) : () -> ()
    %dma_start3A = arith.constant 0 : i32
    %dma_start3A_12 = arith.constant 0 : i32
    %dma_start3A_13 = tpu.memref_slice %arg2[%dma_start3A, %dma_start3A_12] : memref<10000x128xf32, #tpu.memory_space<hbm>> -> memref<10000x128xf32, #tpu.memory_space<hbm>>
    tpu.enqueue_indirect_dma source(%dma_start3A_13 : memref<10000x128xf32, #tpu.memory_space<hbm>>) target(%arg11 : memref<80x128xf32, #tpu.memory_space<vmem>>) offsets(%arg7 : memref<80xi32, #tpu.memory_space<vmem>>) semaphore(%arg14 : memref<!tpu.dma_semaphore, #tpu.memory_space<semaphore_mem>>)
    %add3A_14 = arith.constant 80 : i32
    %add3A_15 = arith.addi %mul3A_9, %add3A_14 : i32
    "tpu.region"() ({
      %run_scoped3A = tpu.sem_alloc : memref<!tpu.dma_semaphore, #tpu.memory_space<semaphore_mem>>
      %dma_start3A_37 = tpu.memref_slice %arg3[%add3A_15] : memref<322560xi32, #tpu.memory_space<hbm>> -> memref<80xi32, #tpu.memory_space<hbm>>
      %dma_start3A_38 = tpu.memref_slice %arg3[%add3A_15] : memref<322560xi32, #tpu.memory_space<hbm>> -> memref<80xi32, #tpu.memory_space<hbm>>
      tpu.enqueue_dma source(%dma_start3A_38 : memref<80xi32, #tpu.memory_space<hbm>>) target(%arg9 : memref<80xi32, #tpu.memory_space<vmem>>) target_semaphore(%run_scoped3A : memref<!tpu.dma_semaphore, #tpu.memory_space<semaphore_mem>>)
      %dma_wait3A_39 = tpu.memref_slice %arg3[%add3A_15] : memref<322560xi32, #tpu.memory_space<hbm>> -> memref<80xi32, #tpu.memory_space<hbm>>
      %dma_wait3A_40 = tpu.memref_slice %arg3[%add3A_15] : memref<322560xi32, #tpu.memory_space<hbm>> -> memref<80xi32, #tpu.memory_space<hbm>>
      tpu.wait_dma2 semaphore(%run_scoped3A : memref<!tpu.dma_semaphore, #tpu.memory_space<semaphore_mem>>) src(%dma_wait3A_40 : memref<80xi32, #tpu.memory_space<hbm>>) dst(%arg9 : memref<80xi32, #tpu.memory_space<vmem>>)
      tpu.yield
    }) : () -> ()
    "tpu.region"() ({
      %run_scoped3A = tpu.sem_alloc : memref<!tpu.dma_semaphore, #tpu.memory_space<semaphore_mem>>
      %dma_start3A_37 = tpu.memref_slice %arg4[%add3A_15] : memref<322560xi32, #tpu.memory_space<hbm>> -> memref<80xi32, #tpu.memory_space<hbm>>
      %dma_start3A_38 = tpu.memref_slice %arg4[%add3A_15] : memref<322560xi32, #tpu.memory_space<hbm>> -> memref<80xi32, #tpu.memory_space<hbm>>
      tpu.enqueue_dma source(%dma_start3A_38 : memref<80xi32, #tpu.memory_space<hbm>>) target(%arg10 : memref<80xi32, #tpu.memory_space<vmem>>) target_semaphore(%run_scoped3A : memref<!tpu.dma_semaphore, #tpu.memory_space<semaphore_mem>>)
      %dma_wait3A_39 = tpu.memref_slice %arg4[%add3A_15] : memref<322560xi32, #tpu.memory_space<hbm>> -> memref<80xi32, #tpu.memory_space<hbm>>
      %dma_wait3A_40 = tpu.memref_slice %arg4[%add3A_15] : memref<322560xi32, #tpu.memory_space<hbm>> -> memref<80xi32, #tpu.memory_space<hbm>>
      tpu.wait_dma2 semaphore(%run_scoped3A : memref<!tpu.dma_semaphore, #tpu.memory_space<semaphore_mem>>) src(%dma_wait3A_40 : memref<80xi32, #tpu.memory_space<hbm>>) dst(%arg10 : memref<80xi32, #tpu.memory_space<vmem>>)
      tpu.yield
    }) : () -> ()
    %dma_start3A_16 = arith.constant 0 : i32
    %dma_start3A_17 = arith.constant 0 : i32
    %dma_start3A_18 = tpu.memref_slice %arg2[%dma_start3A_16, %dma_start3A_17] : memref<10000x128xf32, #tpu.memory_space<hbm>> -> memref<10000x128xf32, #tpu.memory_space<hbm>>
    tpu.enqueue_indirect_dma source(%dma_start3A_18 : memref<10000x128xf32, #tpu.memory_space<hbm>>) target(%arg12 : memref<80x128xf32, #tpu.memory_space<vmem>>) offsets(%arg9 : memref<80xi32, #tpu.memory_space<vmem>>) semaphore(%arg15 : memref<!tpu.dma_semaphore, #tpu.memory_space<semaphore_mem>>)
    %scan3A_19 = arith.constant 0 : i32
    %scan3A_20 = arith.constant 0 : i32
    %scan3A_21 = arith.constant 62 : i32
    %scan3A_22 = arith.addi %scan3A_20, %scan3A_21 : i32
    %scan3A_23 = arith.constant 1 : i32
    scf.for %scan3A_37 = %scan3A_20 to %scan3A_22 step %scan3A_23  : i32 {
      %mul3A_38 = arith.constant 2 : i32
      %mul3A_39 = arith.muli %mul3A_38, %scan3A_37 : i32
      %dma_wait3A_40 = arith.constant 0 : i32
      %dma_wait3A_41 = arith.constant 0 : i32
      %dma_wait3A_42 = tpu.memref_slice %arg2[%dma_wait3A_40, %dma_wait3A_41] : memref<10000x128xf32, #tpu.memory_space<hbm>> -> memref<10000x128xf32, #tpu.memory_space<hbm>>
      tpu.wait_indirect_dma semaphore(%arg14 : memref<!tpu.dma_semaphore, #tpu.memory_space<semaphore_mem>>) src(%dma_wait3A_42 : memref<10000x128xf32, #tpu.memory_space<hbm>>) dst(%arg11 : memref<80x128xf32, #tpu.memory_space<vmem>>)
      "tpu.region"() ({
        %run_scoped3A = tpu.sem_alloc : memref<!tpu.dma_semaphore, #tpu.memory_space<semaphore_mem>>
        %dma_start3A_62 = arith.constant 0 : i32
        %dma_start3A_63 = arith.constant 0 : i32
        %dma_start3A_64 = tpu.memref_slice %arg13[%dma_start3A_62, %dma_start3A_63] : memref<10240x128xf32, #tpu.memory_space<vmem_shared>> -> memref<10240x128xf32, #tpu.memory_space<vmem_shared>>
        tpu.enqueue_indirect_dma source(%arg11 : memref<80x128xf32, #tpu.memory_space<vmem>>) target(%dma_start3A_64 : memref<10240x128xf32, #tpu.memory_space<vmem_shared>>) offsets(%arg8 : memref<80xi32, #tpu.memory_space<vmem>>) semaphore(%run_scoped3A : memref<!tpu.dma_semaphore, #tpu.memory_space<semaphore_mem>>) {add = true}
        %dma_wait3A_65 = arith.constant 0 : i32
        %dma_wait3A_66 = arith.constant 0 : i32
        %dma_wait3A_67 = tpu.memref_slice %arg13[%dma_wait3A_65, %dma_wait3A_66] : memref<10240x128xf32, #tpu.memory_space<vmem_shared>> -> memref<10240x128xf32, #tpu.memory_space<vmem_shared>>
        tpu.wait_indirect_dma semaphore(%run_scoped3A : memref<!tpu.dma_semaphore, #tpu.memory_space<semaphore_mem>>) src(%arg11 : memref<80x128xf32, #tpu.memory_space<vmem>>) dst(%dma_wait3A_67 : memref<10240x128xf32, #tpu.memory_space<vmem_shared>>)
        tpu.yield
      }) : () -> ()
      %add3A_43 = arith.constant 2 : i32
      %add3A_44 = arith.addi %mul3A_39, %add3A_43 : i32
      %mul3A_45 = arith.constant 80 : i32
      %mul3A_46 = arith.muli %add3A_44, %mul3A_45 : i32
      %add3A_47 = arith.addi %mul3A_9, %mul3A_46 : i32
      "tpu.region"() ({
        %run_scoped3A = tpu.sem_alloc : memref<!tpu.dma_semaphore, #tpu.memory_space<semaphore_mem>>
        %dma_start3A_62 = tpu.memref_slice %arg3[%add3A_47] : memref<322560xi32, #tpu.memory_space<hbm>> -> memref<80xi32, #tpu.memory_space<hbm>>
        %dma_start3A_63 = tpu.memref_slice %arg3[%add3A_47] : memref<322560xi32, #tpu.memory_space<hbm>> -> memref<80xi32, #tpu.memory_space<hbm>>
        tpu.enqueue_dma source(%dma_start3A_63 : memref<80xi32, #tpu.memory_space<hbm>>) target(%arg7 : memref<80xi32, #tpu.memory_space<vmem>>) target_semaphore(%run_scoped3A : memref<!tpu.dma_semaphore, #tpu.memory_space<semaphore_mem>>)
        %dma_wait3A_64 = tpu.memref_slice %arg3[%add3A_47] : memref<322560xi32, #tpu.memory_space<hbm>> -> memref<80xi32, #tpu.memory_space<hbm>>
        %dma_wait3A_65 = tpu.memref_slice %arg3[%add3A_47] : memref<322560xi32, #tpu.memory_space<hbm>> -> memref<80xi32, #tpu.memory_space<hbm>>
        tpu.wait_dma2 semaphore(%run_scoped3A : memref<!tpu.dma_semaphore, #tpu.memory_space<semaphore_mem>>) src(%dma_wait3A_65 : memref<80xi32, #tpu.memory_space<hbm>>) dst(%arg7 : memref<80xi32, #tpu.memory_space<vmem>>)
        tpu.yield
      }) : () -> ()
      "tpu.region"() ({
        %run_scoped3A = tpu.sem_alloc : memref<!tpu.dma_semaphore, #tpu.memory_space<semaphore_mem>>
        %dma_start3A_62 = tpu.memref_slice %arg4[%add3A_47] : memref<322560xi32, #tpu.memory_space<hbm>> -> memref<80xi32, #tpu.memory_space<hbm>>
        %dma_start3A_63 = tpu.memref_slice %arg4[%add3A_47] : memref<322560xi32, #tpu.memory_space<hbm>> -> memref<80xi32, #tpu.memory_space<hbm>>
        tpu.enqueue_dma source(%dma_start3A_63 : memref<80xi32, #tpu.memory_space<hbm>>) target(%arg8 : memref<80xi32, #tpu.memory_space<vmem>>) target_semaphore(%run_scoped3A : memref<!tpu.dma_semaphore, #tpu.memory_space<semaphore_mem>>)
        %dma_wait3A_64 = tpu.memref_slice %arg4[%add3A_47] : memref<322560xi32, #tpu.memory_space<hbm>> -> memref<80xi32, #tpu.memory_space<hbm>>
        %dma_wait3A_65 = tpu.memref_slice %arg4[%add3A_47] : memref<322560xi32, #tpu.memory_space<hbm>> -> memref<80xi32, #tpu.memory_space<hbm>>
        tpu.wait_dma2 semaphore(%run_scoped3A : memref<!tpu.dma_semaphore, #tpu.memory_space<semaphore_mem>>) src(%dma_wait3A_65 : memref<80xi32, #tpu.memory_space<hbm>>) dst(%arg8 : memref<80xi32, #tpu.memory_space<vmem>>)
        tpu.yield
      }) : () -> ()
      %dma_start3A_48 = arith.constant 0 : i32
      %dma_start3A_49 = arith.constant 0 : i32
      %dma_start3A_50 = tpu.memref_slice %arg2[%dma_start3A_48, %dma_start3A_49] : memref<10000x128xf32, #tpu.memory_space<hbm>> -> memref<10000x128xf32, #tpu.memory_space<hbm>>
      tpu.enqueue_indirect_dma source(%dma_start3A_50 : memref<10000x128xf32, #tpu.memory_space<hbm>>) target(%arg11 : memref<80x128xf32, #tpu.memory_space<vmem>>) offsets(%arg7 : memref<80xi32, #tpu.memory_space<vmem>>) semaphore(%arg14 : memref<!tpu.dma_semaphore, #tpu.memory_space<semaphore_mem>>)
      %dma_wait3A_51 = arith.constant 0 : i32
      %dma_wait3A_52 = arith.constant 0 : i32
      %dma_wait3A_53 = tpu.memref_slice %arg2[%dma_wait3A_51, %dma_wait3A_52] : memref<10000x128xf32, #tpu.memory_space<hbm>> -> memref<10000x128xf32, #tpu.memory_space<hbm>>
      tpu.wait_indirect_dma semaphore(%arg15 : memref<!tpu.dma_semaphore, #tpu.memory_space<semaphore_mem>>) src(%dma_wait3A_53 : memref<10000x128xf32, #tpu.memory_space<hbm>>) dst(%arg12 : memref<80x128xf32, #tpu.memory_space<vmem>>)
      "tpu.region"() ({
        %run_scoped3A = tpu.sem_alloc : memref<!tpu.dma_semaphore, #tpu.memory_space<semaphore_mem>>
        %dma_start3A_62 = arith.constant 0 : i32
        %dma_start3A_63 = arith.constant 0 : i32
        %dma_start3A_64 = tpu.memref_slice %arg13[%dma_start3A_62, %dma_start3A_63] : memref<10240x128xf32, #tpu.memory_space<vmem_shared>> -> memref<10240x128xf32, #tpu.memory_space<vmem_shared>>
        tpu.enqueue_indirect_dma source(%arg12 : memref<80x128xf32, #tpu.memory_space<vmem>>) target(%dma_start3A_64 : memref<10240x128xf32, #tpu.memory_space<vmem_shared>>) offsets(%arg10 : memref<80xi32, #tpu.memory_space<vmem>>) semaphore(%run_scoped3A : memref<!tpu.dma_semaphore, #tpu.memory_space<semaphore_mem>>) {add = true}
        %dma_wait3A_65 = arith.constant 0 : i32
        %dma_wait3A_66 = arith.constant 0 : i32
        %dma_wait3A_67 = tpu.memref_slice %arg13[%dma_wait3A_65, %dma_wait3A_66] : memref<10240x128xf32, #tpu.memory_space<vmem_shared>> -> memref<10240x128xf32, #tpu.memory_space<vmem_shared>>
        tpu.wait_indirect_dma semaphore(%run_scoped3A : memref<!tpu.dma_semaphore, #tpu.memory_space<semaphore_mem>>) src(%arg12 : memref<80x128xf32, #tpu.memory_space<vmem>>) dst(%dma_wait3A_67 : memref<10240x128xf32, #tpu.memory_space<vmem_shared>>)
        tpu.yield
      }) : () -> ()
      %add3A_54 = arith.constant 3 : i32
      %add3A_55 = arith.addi %mul3A_39, %add3A_54 : i32
      %mul3A_56 = arith.constant 80 : i32
      %mul3A_57 = arith.muli %add3A_55, %mul3A_56 : i32
      %add3A_58 = arith.addi %mul3A_9, %mul3A_57 : i32
      "tpu.region"() ({
        %run_scoped3A = tpu.sem_alloc : memref<!tpu.dma_semaphore, #tpu.memory_space<semaphore_mem>>
        %dma_start3A_62 = tpu.memref_slice %arg3[%add3A_58] : memref<322560xi32, #tpu.memory_space<hbm>> -> memref<80xi32, #tpu.memory_space<hbm>>
        %dma_start3A_63 = tpu.memref_slice %arg3[%add3A_58] : memref<322560xi32, #tpu.memory_space<hbm>> -> memref<80xi32, #tpu.memory_space<hbm>>
        tpu.enqueue_dma source(%dma_start3A_63 : memref<80xi32, #tpu.memory_space<hbm>>) target(%arg9 : memref<80xi32, #tpu.memory_space<vmem>>) target_semaphore(%run_scoped3A : memref<!tpu.dma_semaphore, #tpu.memory_space<semaphore_mem>>)
        %dma_wait3A_64 = tpu.memref_slice %arg3[%add3A_58] : memref<322560xi32, #tpu.memory_space<hbm>> -> memref<80xi32, #tpu.memory_space<hbm>>
        %dma_wait3A_65 = tpu.memref_slice %arg3[%add3A_58] : memref<322560xi32, #tpu.memory_space<hbm>> -> memref<80xi32, #tpu.memory_space<hbm>>
        tpu.wait_dma2 semaphore(%run_scoped3A : memref<!tpu.dma_semaphore, #tpu.memory_space<semaphore_mem>>) src(%dma_wait3A_65 : memref<80xi32, #tpu.memory_space<hbm>>) dst(%arg9 : memref<80xi32, #tpu.memory_space<vmem>>)
        tpu.yield
      }) : () -> ()
      "tpu.region"() ({
        %run_scoped3A = tpu.sem_alloc : memref<!tpu.dma_semaphore, #tpu.memory_space<semaphore_mem>>
        %dma_start3A_62 = tpu.memref_slice %arg4[%add3A_58] : memref<322560xi32, #tpu.memory_space<hbm>> -> memref<80xi32, #tpu.memory_space<hbm>>
        %dma_start3A_63 = tpu.memref_slice %arg4[%add3A_58] : memref<322560xi32, #tpu.memory_space<hbm>> -> memref<80xi32, #tpu.memory_space<hbm>>
        tpu.enqueue_dma source(%dma_start3A_63 : memref<80xi32, #tpu.memory_space<hbm>>) target(%arg10 : memref<80xi32, #tpu.memory_space<vmem>>) target_semaphore(%run_scoped3A : memref<!tpu.dma_semaphore, #tpu.memory_space<semaphore_mem>>)
        %dma_wait3A_64 = tpu.memref_slice %arg4[%add3A_58] : memref<322560xi32, #tpu.memory_space<hbm>> -> memref<80xi32, #tpu.memory_space<hbm>>
        %dma_wait3A_65 = tpu.memref_slice %arg4[%add3A_58] : memref<322560xi32, #tpu.memory_space<hbm>> -> memref<80xi32, #tpu.memory_space<hbm>>
        tpu.wait_dma2 semaphore(%run_scoped3A : memref<!tpu.dma_semaphore, #tpu.memory_space<semaphore_mem>>) src(%dma_wait3A_65 : memref<80xi32, #tpu.memory_space<hbm>>) dst(%arg10 : memref<80xi32, #tpu.memory_space<vmem>>)
        tpu.yield
      }) : () -> ()
      %dma_start3A_59 = arith.constant 0 : i32
      %dma_start3A_60 = arith.constant 0 : i32
      %dma_start3A_61 = tpu.memref_slice %arg2[%dma_start3A_59, %dma_start3A_60] : memref<10000x128xf32, #tpu.memory_space<hbm>> -> memref<10000x128xf32, #tpu.memory_space<hbm>>
      tpu.enqueue_indirect_dma source(%dma_start3A_61 : memref<10000x128xf32, #tpu.memory_space<hbm>>) target(%arg12 : memref<80x128xf32, #tpu.memory_space<vmem>>) offsets(%arg9 : memref<80xi32, #tpu.memory_space<vmem>>) semaphore(%arg15 : memref<!tpu.dma_semaphore, #tpu.memory_space<semaphore_mem>>)
    }
    %scan3A_24 = arith.constant 62 : i32
    %dma_wait3A = arith.constant 0 : i32
    %dma_wait3A_25 = arith.constant 0 : i32
    %dma_wait3A_26 = tpu.memref_slice %arg2[%dma_wait3A, %dma_wait3A_25] : memref<10000x128xf32, #tpu.memory_space<hbm>> -> memref<10000x128xf32, #tpu.memory_space<hbm>>
    tpu.wait_indirect_dma semaphore(%arg14 : memref<!tpu.dma_semaphore, #tpu.memory_space<semaphore_mem>>) src(%dma_wait3A_26 : memref<10000x128xf32, #tpu.memory_space<hbm>>) dst(%arg11 : memref<80x128xf32, #tpu.memory_space<vmem>>)
    "tpu.region"() ({
      %run_scoped3A = tpu.sem_alloc : memref<!tpu.dma_semaphore, #tpu.memory_space<semaphore_mem>>
      %dma_start3A_37 = arith.constant 0 : i32
      %dma_start3A_38 = arith.constant 0 : i32
      %dma_start3A_39 = tpu.memref_slice %arg13[%dma_start3A_37, %dma_start3A_38] : memref<10240x128xf32, #tpu.memory_space<vmem_shared>> -> memref<10240x128xf32, #tpu.memory_space<vmem_shared>>
      tpu.enqueue_indirect_dma source(%arg11 : memref<80x128xf32, #tpu.memory_space<vmem>>) target(%dma_start3A_39 : memref<10240x128xf32, #tpu.memory_space<vmem_shared>>) offsets(%arg8 : memref<80xi32, #tpu.memory_space<vmem>>) semaphore(%run_scoped3A : memref<!tpu.dma_semaphore, #tpu.memory_space<semaphore_mem>>) {add = true}
      %dma_wait3A_40 = arith.constant 0 : i32
      %dma_wait3A_41 = arith.constant 0 : i32
      %dma_wait3A_42 = tpu.memref_slice %arg13[%dma_wait3A_40, %dma_wait3A_41] : memref<10240x128xf32, #tpu.memory_space<vmem_shared>> -> memref<10240x128xf32, #tpu.memory_space<vmem_shared>>
      tpu.wait_indirect_dma semaphore(%run_scoped3A : memref<!tpu.dma_semaphore, #tpu.memory_space<semaphore_mem>>) src(%arg11 : memref<80x128xf32, #tpu.memory_space<vmem>>) dst(%dma_wait3A_42 : memref<10240x128xf32, #tpu.memory_space<vmem_shared>>)
      tpu.yield
    }) : () -> ()
    %dma_wait3A_27 = arith.constant 0 : i32
    %dma_wait3A_28 = arith.constant 0 : i32
    %dma_wait3A_29 = tpu.memref_slice %arg2[%dma_wait3A_27, %dma_wait3A_28] : memref<10000x128xf32, #tpu.memory_space<hbm>> -> memref<10000x128xf32, #tpu.memory_space<hbm>>
    tpu.wait_indirect_dma semaphore(%arg15 : memref<!tpu.dma_semaphore, #tpu.memory_space<semaphore_mem>>) src(%dma_wait3A_29 : memref<10000x128xf32, #tpu.memory_space<hbm>>) dst(%arg12 : memref<80x128xf32, #tpu.memory_space<vmem>>)
    "tpu.region"() ({
      %run_scoped3A = tpu.sem_alloc : memref<!tpu.dma_semaphore, #tpu.memory_space<semaphore_mem>>
      %dma_start3A_37 = arith.constant 0 : i32
      %dma_start3A_38 = arith.constant 0 : i32
      %dma_start3A_39 = tpu.memref_slice %arg13[%dma_start3A_37, %dma_start3A_38] : memref<10240x128xf32, #tpu.memory_space<vmem_shared>> -> memref<10240x128xf32, #tpu.memory_space<vmem_shared>>
      tpu.enqueue_indirect_dma source(%arg12 : memref<80x128xf32, #tpu.memory_space<vmem>>) target(%dma_start3A_39 : memref<10240x128xf32, #tpu.memory_space<vmem_shared>>) offsets(%arg10 : memref<80xi32, #tpu.memory_space<vmem>>) semaphore(%run_scoped3A : memref<!tpu.dma_semaphore, #tpu.memory_space<semaphore_mem>>) {add = true}
      %dma_wait3A_40 = arith.constant 0 : i32
      %dma_wait3A_41 = arith.constant 0 : i32
      %dma_wait3A_42 = tpu.memref_slice %arg13[%dma_wait3A_40, %dma_wait3A_41] : memref<10240x128xf32, #tpu.memory_space<vmem_shared>> -> memref<10240x128xf32, #tpu.memory_space<vmem_shared>>
      tpu.wait_indirect_dma semaphore(%run_scoped3A : memref<!tpu.dma_semaphore, #tpu.memory_space<semaphore_mem>>) src(%arg12 : memref<80x128xf32, #tpu.memory_space<vmem>>) dst(%dma_wait3A_42 : memref<10240x128xf32, #tpu.memory_space<vmem_shared>>)
      tpu.yield
    }) : () -> ()
    %barrier3A_30 = arith.constant 0 : index
    tpu.barrier barrier_id(%barrier3A_30)
    %scan3A_31 = arith.constant 0 : i32
    %scan3A_32 = arith.constant 0 : i32
    %scan3A_33 = arith.constant 8 : i32
    %scan3A_34 = arith.addi %scan3A_32, %scan3A_33 : i32
    %scan3A_35 = arith.constant 1 : i32
    scf.for %scan3A_37 = %scan3A_32 to %scan3A_34 step %scan3A_35  : i32 {
      %mul3A_38 = arith.constant 80 : i32
      %mul3A_39 = arith.muli %scan3A_37, %mul3A_38 : i32
      %add3A_40 = arith.addi %mul3A_2, %mul3A_39 : i32
      "tpu.region"() ({
        %run_scoped3A = tpu.sem_alloc : memref<!tpu.dma_semaphore, #tpu.memory_space<semaphore_mem>>
        %dma_start3A_41 = arith.constant 0 : i32
        %dma_start3A_42 = tpu.memref_slice %arg13[%add3A_40, %dma_start3A_41] : memref<10240x128xf32, #tpu.memory_space<vmem_shared>> -> memref<80x128xf32, #tpu.memory_space<vmem_shared>>
        %dma_start3A_43 = arith.constant 0 : i32
        %dma_start3A_44 = tpu.memref_slice %arg13[%add3A_40, %dma_start3A_43] : memref<10240x128xf32, #tpu.memory_space<vmem_shared>> -> memref<80x128xf32, #tpu.memory_space<vmem_shared>>
        tpu.enqueue_dma source(%dma_start3A_44 : memref<80x128xf32, #tpu.memory_space<vmem_shared>>) target(%arg11 : memref<80x128xf32, #tpu.memory_space<vmem>>) target_semaphore(%run_scoped3A : memref<!tpu.dma_semaphore, #tpu.memory_space<semaphore_mem>>)
        %dma_wait3A_45 = arith.constant 0 : i32
        %dma_wait3A_46 = tpu.memref_slice %arg13[%add3A_40, %dma_wait3A_45] : memref<10240x128xf32, #tpu.memory_space<vmem_shared>> -> memref<80x128xf32, #tpu.memory_space<vmem_shared>>
        %dma_wait3A_47 = arith.constant 0 : i32
        %dma_wait3A_48 = tpu.memref_slice %arg13[%add3A_40, %dma_wait3A_47] : memref<10240x128xf32, #tpu.memory_space<vmem_shared>> -> memref<80x128xf32, #tpu.memory_space<vmem_shared>>
        tpu.wait_dma2 semaphore(%run_scoped3A : memref<!tpu.dma_semaphore, #tpu.memory_space<semaphore_mem>>) src(%dma_wait3A_48 : memref<80x128xf32, #tpu.memory_space<vmem_shared>>) dst(%arg11 : memref<80x128xf32, #tpu.memory_space<vmem>>)
        tpu.yield
      }) : () -> ()
      "tpu.region"() ({
        %run_scoped3A = tpu.sem_alloc : memref<!tpu.dma_semaphore, #tpu.memory_space<semaphore_mem>>
        %dma_start3A_41 = arith.constant 0 : i32
        %dma_start3A_42 = tpu.memref_slice %arg6[%arg0, %add3A_40, %dma_start3A_41] : memref<2x10240x128xf32, #tpu.memory_space<hbm>> -> memref<1x80x128xf32, #tpu.memory_space<hbm>>
        %dma_start3A_43 = tpu.memref_squeeze %dma_start3A_42 : memref<1x80x128xf32, #tpu.memory_space<hbm>> -> memref<80x128xf32, #tpu.memory_space<hbm>>
        %dma_start3A_44 = arith.constant 0 : i32
        %dma_start3A_45 = tpu.memref_slice %arg6[%arg0, %add3A_40, %dma_start3A_44] : memref<2x10240x128xf32, #tpu.memory_space<hbm>> -> memref<1x80x128xf32, #tpu.memory_space<hbm>>
        %dma_start3A_46 = tpu.memref_squeeze %dma_start3A_45 : memref<1x80x128xf32, #tpu.memory_space<hbm>> -> memref<80x128xf32, #tpu.memory_space<hbm>>
        tpu.enqueue_dma source(%arg11 : memref<80x128xf32, #tpu.memory_space<vmem>>) target(%dma_start3A_46 : memref<80x128xf32, #tpu.memory_space<hbm>>) target_semaphore(%run_scoped3A : memref<!tpu.dma_semaphore, #tpu.memory_space<semaphore_mem>>)
        %dma_wait3A_47 = arith.constant 0 : i32
        %dma_wait3A_48 = tpu.memref_slice %arg6[%arg0, %add3A_40, %dma_wait3A_47] : memref<2x10240x128xf32, #tpu.memory_space<hbm>> -> memref<1x80x128xf32, #tpu.memory_space<hbm>>
        %dma_wait3A_49 = tpu.memref_squeeze %dma_wait3A_48 : memref<1x80x128xf32, #tpu.memory_space<hbm>> -> memref<80x128xf32, #tpu.memory_space<hbm>>
        %dma_wait3A_50 = arith.constant 0 : i32
        %dma_wait3A_51 = tpu.memref_slice %arg6[%arg0, %add3A_40, %dma_wait3A_50] : memref<2x10240x128xf32, #tpu.memory_space<hbm>> -> memref<1x80x128xf32, #tpu.memory_space<hbm>>
        %dma_wait3A_52 = tpu.memref_squeeze %dma_wait3A_51 : memref<1x80x128xf32, #tpu.memory_space<hbm>> -> memref<80x128xf32, #tpu.memory_space<hbm>>
        tpu.wait_dma2 semaphore(%run_scoped3A : memref<!tpu.dma_semaphore, #tpu.memory_space<semaphore_mem>>) src(%arg11 : memref<80x128xf32, #tpu.memory_space<vmem>>) dst(%dma_wait3A_52 : memref<80x128xf32, #tpu.memory_space<hbm>>)
        tpu.yield
      }) : () -> ()
    }
    %scan3A_36 = arith.constant 8 : i32
    return
  }
}

module attributes {stable_mosaic.version = 14 : i64} {
  func.func @_proj_body(%arg0: i32, %arg1: memref<1000x128xf32, #tpu.memory_space<vmem>>, %arg2: memref<256x128xf32, #tpu.memory_space<vmem>>, %arg3: memref<1000x128xf32, #tpu.memory_space<vmem>>) attributes {dimension_semantics = [#tpu.dimension_semantics<arbitrary>], iteration_bounds = array<i64: 10>, scalar_prefetch = 0 : i64, scratch_operands = 0 : i64, tpu.core_type = #tpu.core_type<tc>, window_params = [{transform_indices = @transform_0, window_bounds = array<i64: 1000, 128>}, {pipeline_mode = #tpu.pipeline_mode<synchronous>, transform_indices = @transform_1, window_bounds = array<i64: 256, 128>}, {transform_indices = @transform_2, window_bounds = array<i64: 1000, 128>}]} {
    %get3A = arith.constant 0 : index
    %get3A_0 = arith.constant 0 : index
    %get3A_1 = vector.load %arg1[%get3A, %get3A_0] : memref<1000x128xf32, #tpu.memory_space<vmem>>, vector<1000x128xf32>
    %mul3A = arith.constant 1.000000e-01 : f32
    %mul3A_2 = vector.broadcast %mul3A : f32 to vector<1000x128xf32>
    %mul3A_3 = arith.mulf %get3A_1, %mul3A_2 : vector<1000x128xf32>
    %get3A_4 = arith.constant 0 : index
    %get3A_5 = arith.constant 0 : index
    %get3A_6 = vector.load %arg2[%get3A_4, %get3A_5] : memref<256x128xf32, #tpu.memory_space<vmem>>, vector<128x128xf32>
    %get3A_7 = arith.constant 128 : index
    %get3A_8 = arith.constant 0 : index
    %get3A_9 = vector.load %arg2[%get3A_7, %get3A_8] : memref<256x128xf32, #tpu.memory_space<vmem>>, vector<128x128xf32>
    %dot_general3A = arith.constant dense<0.000000e+00> : vector<1000x128xf32>
    %dot_general3A_10 = tpu.matmul %mul3A_3, %get3A_6, %dot_general3A {dimension_numbers = #tpu.dot_dimension_numbers<[1], [0], [0], [1], [0, 0, 1, 1], [], []>, transpose_lhs_hint = false} : vector<1000x128xf32>, vector<128x128xf32>, vector<1000x128xf32> -> vector<1000x128xf32>
    %mul3A_11 = arith.mulf %mul3A_3, %mul3A_3 : vector<1000x128xf32>
    %dot_general3A_12 = arith.constant dense<0.000000e+00> : vector<1000x128xf32>
    %dot_general3A_13 = tpu.matmul %mul3A_11, %get3A_9, %dot_general3A_12 {dimension_numbers = #tpu.dot_dimension_numbers<[1], [0], [0], [1], [0, 0, 1, 1], [], []>, transpose_lhs_hint = false} : vector<1000x128xf32>, vector<128x128xf32>, vector<1000x128xf32> -> vector<1000x128xf32>
    %add3A = arith.addf %dot_general3A_10, %dot_general3A_13 : vector<1000x128xf32>
    %swap3A = arith.constant 0 : index
    %swap3A_14 = arith.constant 0 : index
    %swap3A_15 = vector.load %arg3[%swap3A, %swap3A_14] : memref<1000x128xf32, #tpu.memory_space<vmem>>, vector<1000x128xf32>
    tpu.vector_store %arg3[%swap3A, %swap3A_14], %add3A {strides = array<i32>} : memref<1000x128xf32, #tpu.memory_space<vmem>>, vector<1000x128xf32>,
    return
  }
  func.func @transform_0(%arg0: i32) -> (i32, i32) {
    %c0_i32 = arith.constant 0 : i32
    %c0_i32_0 = arith.constant 0 : i32
    return %arg0, %c0_i32 : i32, i32
  }
  func.func @transform_1(%arg0: i32) -> (i32, i32) {
    %c0_i32 = arith.constant 0 : i32
    %c0_i32_0 = arith.constant 0 : i32
    %c0_i32_1 = arith.constant 0 : i32
    return %c0_i32, %c0_i32_0 : i32, i32
  }
  func.func @transform_2(%arg0: i32) -> (i32, i32) {
    %c0_i32 = arith.constant 0 : i32
    %c0_i32_0 = arith.constant 0 : i32
    return %arg0, %c0_i32 : i32, i32
  }
}

module attributes {stable_mosaic.version = 14 : i64} {
  func.func @_comb_body(%arg0: i32, %arg1: memref<2x1000x128xf32, #tpu.memory_space<vmem>>, %arg2: memref<1000x128xf32, #tpu.memory_space<vmem>>, %arg3: memref<1000x128xf32, #tpu.memory_space<vmem>>) attributes {dimension_semantics = [#tpu.dimension_semantics<arbitrary>], iteration_bounds = array<i64: 10>, scalar_prefetch = 0 : i64, scratch_operands = 0 : i64, tpu.core_type = #tpu.core_type<tc>, window_params = [{transform_indices = @transform_0, window_bounds = array<i64: 2, 1000, 128>}, {transform_indices = @transform_1, window_bounds = array<i64: 1000, 128>}, {transform_indices = @transform_2, window_bounds = array<i64: 1000, 128>}]} {
    %get3A = arith.constant 0 : index
    %get3A_0 = arith.constant 0 : index
    %get3A_1 = arith.constant 0 : index
    %get3A_2 = vector.load %arg1[%get3A, %get3A_0, %get3A_1] : memref<2x1000x128xf32, #tpu.memory_space<vmem>>, vector<1x1000x128xf32>
    %get3A_3 = vector.shape_cast %get3A_2 : vector<1x1000x128xf32> to vector<1000x128xf32>
    %get3A_4 = arith.constant 1 : index
    %get3A_5 = arith.constant 0 : index
    %get3A_6 = arith.constant 0 : index
    %get3A_7 = vector.load %arg1[%get3A_4, %get3A_5, %get3A_6] : memref<2x1000x128xf32, #tpu.memory_space<vmem>>, vector<1x1000x128xf32>
    %get3A_8 = vector.shape_cast %get3A_7 : vector<1x1000x128xf32> to vector<1000x128xf32>
    %add3A = arith.addf %get3A_3, %get3A_8 : vector<1000x128xf32>
    %get3A_9 = arith.constant 0 : index
    %get3A_10 = arith.constant 0 : index
    %get3A_11 = vector.load %arg2[%get3A_9, %get3A_10] : memref<1000x128xf32, #tpu.memory_space<vmem>>, vector<1000x128xf32>
    %add3A_12 = arith.addf %add3A, %get3A_11 : vector<1000x128xf32>
    %swap3A = arith.constant 0 : index
    %swap3A_13 = arith.constant 0 : index
    %swap3A_14 = vector.load %arg3[%swap3A, %swap3A_13] : memref<1000x128xf32, #tpu.memory_space<vmem>>, vector<1000x128xf32>
    tpu.vector_store %arg3[%swap3A, %swap3A_13], %add3A_12 {strides = array<i32>} : memref<1000x128xf32, #tpu.memory_space<vmem>>, vector<1000x128xf32>,
    return
  }
  func.func @transform_0(%arg0: i32) -> (i32, i32, i32) {
    %c0_i32 = arith.constant 0 : i32
    %c0_i32_0 = arith.constant 0 : i32
    %c0_i32_1 = arith.constant 0 : i32
    return %c0_i32, %arg0, %c0_i32_0 : i32, i32, i32
  }
  func.func @transform_1(%arg0: i32) -> (i32, i32) {
    %c0_i32 = arith.constant 0 : i32
    %c0_i32_0 = arith.constant 0 : i32
    return %arg0, %c0_i32 : i32, i32
  }
  func.func @transform_2(%arg0: i32) -> (i32, i32) {
    %c0_i32 = arith.constant 0 : i32
    %c0_i32_0 = arith.constant 0 : i32
    return %arg0, %c0_i32 : i32, i32
  }
}

</mosaic_0001>

<sc_bundles>
// kernel: kernel.5.cloned.1.call-start
scs
__scs_entry_jumppad:
0x0: {  	(pc) =	sbr.rel $0x88, $3  }
0x1: {  	(tag) =	ssettag $0x0;
	lr =	simm.s32 $0x1  }
0x2: {  	[smem:$0x3F9E] =	sst lr;
	_ =	strace $0xD0000000  }
0x3: {  	_ = 	snop  }
0x4: {  	_ = 	snop  }
0x5: {  	_ = 	snop  }
0x6: {  	_ = 	snop  }
0x7: {  	_ = 	snop  }
__scs_overlays_trampoline_lowered:
0x8: {  	[smem:$0x3FAD] =	sst s0  }
0x9: {  	[smem:$0x3FAE] =	sst s1  }
0xa: {  	[smem:$0x3FAF] =	sst s2  }
0xb: {  	[smem:$0x3FB0] =	sst s3  }
0xc: {  	[smem:$0x3FB1] =	sst s4  }
0xd: {  	[smem:$0x3FB2] =	sst s5  }
0xe: {  	[smem:$0x3FB3] =	sst s6  }
0xf: {  	[smem:$0x3FB4] =	sst s7  }
0x10: {  	[smem:$0x3FB5] =	sst s8  }
0x11: {  	[smem:$0x3FB6] =	sst s9;
	s0 =	simm.s32 @!p0 $0x0  }
0x12: {  	s1 =	sld [smem:$0x3F9C];
	s0 =	simm.s32 @p0 $0x1  }
0x13: {  	[smem:$0x3FB7] =	sst s0;
	s0 =	simm.s32 @!p1 $0x0  }
0x14: {  	s2 =	sld [smem:$0x3F9B];
	s0 =	simm.s32 @p1 $0x1  }
0x15: {  	[smem:$0x3FB8] =	sst s0;
	s0 =	simm.s32 @!p2 $0x0  }
0x16: {  	s3 =	sld [smem:$0x3FDB];
	s0 =	simm.s32 @p2 $0x1  }
0x17: {  	s4 =	simm.s32 $0x1BF5;
	[smem:$0x3FBA] =	sst s0  }
0x18: {  	s0 =	sld [smem:$0x3F9D];
	_ =	swait.ge [sflag:s4], $0x0  }
0x19: {  	s7 =	sld [smem:$0x3F9E]  }
0x1a: {  	s8 =	sadd.s32 $0xFFFFE003, lr  }
0x1b: {  	s9 =	sadd.s32 $0xFFFFFEF7, lr;
	s5 =	simm.s32 $0xFFFFFFFF;
	p2 =	slt.u32 s8, $0xFFFFF086  }
0x1c: {  	p1 =	slt.u32 s9, $0xF7A;
	s5 =	simm.s32 @!p2 $0x0  }
0x1d: {  	s5 =	simm.s32 @p1 $0x1;
	p0 =	seq.s32 s7, s2  }
0x1e: {  	s7 =	smul.u32 @!p0 $0xF7A, s2;
	p2 =	seq.s32 @!p0 s5, $0x0  }
0x1f: {  	s9 =	smul.u32 $0xF7A, s1;
	s8 =	simm.s32 @!p0 $0x1BF5;
	p2 =	por !p2, p0  }
0x20: {  	[sflag:s8] =	ssyncset.s32 @!p0 $0xFFFFF086;
	s6 =	sadd.s32 @!p0 s3, s7;
	s7 =	simm.s32 @!p0 $0x108  }
0x21: {  	s3 =	sadd.s32 s3, s9;
	s6 =	sadd.s32 @!p0 $0x88, s6;
	s7 =	simm.s32 @p2 $0x1082  }
0x22: {  	[simem:s7], [sflag:s8] =	dma.local @!p0 [hbm:s6], $0xF7A  }
0x23: {  	s9 =	sor.u32 $0xD0000000, s2;
	s6 =	simm.s32 $0x108;
	_ =	swait.ge @!p0 [sflag:s8], $0x0  }
0x24: {  	s3 =	sadd.s32 $0x88, s3;
	s6 =	simm.s32 @!p1 $0x1082;
	[sflag:s4] =	ssyncset.s32 $0xFFFFF086  }
0x25: {  	[simem:s6], [sflag:s4] =	dma.local [hbm:s3], $0xF7A  }
0x26: {  	[smem:$0x3F9E] =	sst s1;
	(tag) =	ssettag s2;
	_ =	strace s9  }
0x27: {  	s1 =	sld [smem:$0x3FAE]  }
0x28: {  	s2 =	sld [smem:$0x3FAF]  }
0x29: {  	s4 =	sld [smem:$0x3FB1]  }
0x2a: {  	p0 =	seq.s32 s5, $0x0;
	s5 =	sld [smem:$0x3FB2]  }
0x2b: {  	s6 =	sld [smem:$0x3FB3]  }
0x2c: {  	s7 =	sld [smem:$0x3FB4]  }
0x2d: {  	s3 =	simm.s32 $0x108;
	s8 =	sld [smem:$0x3FB5]  }
0x2e: {  	s3 =	simm.s32 @!p0 $0x1082;
	s9 =	sld [smem:$0x3FB6]  }
0x2f: {  	lr =	sadd.s32 s0, s3;
	s0 =	sld [smem:$0x3FAD]  }
0x30: {  	s3 =	sld [smem:$0x3FB0]  }
0x31: {  	[smem:$0x3FB9] =	sst s10  }
0x32: {  	s10 =	sld [smem:$0x3FB7];
	_ =	sdelay $0x3  }
0x33: {  	p0 =	seq.s32 s10, $0x1;
	s10 =	sld [smem:$0x3FB9];
	_ =	sdelay $0x3  }
0x34: {  	[smem:$0x3FB9] =	sst s10  }
0x35: {  	s10 =	sld [smem:$0x3FB8];
	_ =	sdelay $0x3  }
0x36: {  	p1 =	seq.s32 s10, $0x1;
	s10 =	sld [smem:$0x3FB9];
	_ =	sdelay $0x3  }
0x37: {  	[smem:$0x3FB9] =	sst s10  }
0x38: {  	s10 =	sld [smem:$0x3FBA]  }
0x39: {  	_ = 	snop;
	(pc) =	sbr.ind lr, $3  }
0x3a: {  	_ = 	snop  }
0x3b: {  	_ = 	snop  }
0x3c: {  	p2 =	seq.s32 s10, $0x1;
	s10 =	sld [smem:$0x3FB9]  }
0x3d: {  	_ =	shalt  }
0x3e: {  	_ =	shalt  }
0x3f: {  	_ =	shalt  }
0x40: {  	_ =	shalt  }
0x41: {  	_ =	shalt  }
0x42: {  	_ =	shalt  }
0x43: {  	_ =	shalt  }
0x44: {  	_ =	shalt  }
0x45: {  	_ =	shalt  }
0x46: {  	_ =	shalt  }
0x47: {  	_ =	shalt  }
0x48: {  	_ =	shalt  }
0x49: {  	_ =	shalt  }
0x4a: {  	_ =	shalt  }
0x4b: {  	_ =	shalt  }
0x4c: {  	_ =	shalt  }
0x4d: {  	_ =	shalt  }
0x4e: {  	_ =	shalt  }
0x4f: {  	_ =	shalt  }
0x50: {  	_ =	shalt  }
0x51: {  	_ =	shalt  }
0x52: {  	_ =	shalt  }
0x53: {  	_ =	shalt  }
0x54: {  	_ =	shalt  }
0x55: {  	_ =	shalt  }
0x56: {  	_ =	shalt  }
0x57: {  	_ =	shalt  }
0x58: {  	_ =	shalt  }
0x59: {  	_ =	shalt  }
0x5a: {  	_ =	shalt  }
0x5b: {  	_ =	shalt  }
0x5c: {  	_ =	shalt  }
0x5d: {  	_ =	shalt  }
0x5e: {  	_ =	shalt  }
0x5f: {  	_ =	shalt  }
0x60: {  	_ =	shalt  }
0x61: {  	_ =	shalt  }
0x62: {  	_ =	shalt  }
0x63: {  	_ =	shalt  }
0x64: {  	_ =	shalt  }
0x65: {  	_ =	shalt  }
0x66: {  	_ =	shalt  }
0x67: {  	_ =	shalt  }
0x68: {  	_ =	shalt  }
0x69: {  	_ =	shalt  }
0x6a: {  	_ =	shalt  }
0x6b: {  	_ =	shalt  }
0x6c: {  	_ =	shalt  }
0x6d: {  	_ =	shalt  }
0x6e: {  	_ =	shalt  }
0x6f: {  	_ =	shalt  }
0x70: {  	_ =	shalt  }
0x71: {  	_ =	shalt  }
0x72: {  	_ =	shalt  }
0x73: {  	_ =	shalt  }
0x74: {  	_ =	shalt  }
0x75: {  	_ =	shalt  }
0x76: {  	_ =	shalt  }
0x77: {  	_ =	shalt  }
0x78: {  	_ =	shalt  }
0x79: {  	_ =	shalt  }
0x7a: {  	_ =	shalt  }
0x7b: {  	_ =	shalt  }
0x7c: {  	_ =	shalt  }
0x7d: {  	_ =	shalt  }
0x7e: {  	_ =	shalt  }
0x7f: {  	_ =	shalt  }
0x80: {  	_ =	shalt  }
0x81: {  	_ =	shalt  }
0x82: {  	_ =	shalt  }
0x83: {  	_ =	shalt  }
0x84: {  	_ =	shalt  }
0x85: {  	_ =	shalt  }
0x86: {  	_ =	shalt  }
0x87: {  	_ =	shalt  }
.Lfunc_end0:
.L_simem_size_0:
called_computation_lowered:
.L_overlay_start_0:
0x88: {  	s2 =	sld [smem:$0x3FD9]  }
0x89: {  	s3 =	sld [smem:$0x3FFE];
	_ =	sdelay $0x1  }
0x8a: {  	s1 =	srdreg.scid  }
0x8b: {  	s0 =	sand.u32 $0x1, s1  }
0x8c: {  	s17 =	sshll.u32 s0, $0xA;
	s2 =	sadd.s32 s3, s2  }
0x8d: {  	s2 =	sadd.s32 s2, s17  }
0x8e: {  	[smem:$0x3FC5] =	sst s2  }
0x8f: {  	_ = 	snop  }
0x90: {  	s2 =	sld [smem:$0x3FD0];
	(tm) =	ssettm $0x1  }
0x91: {  	s18 =	sld [smem:$0x3FFB];
	_ =	sdelay $0x3  }
0x92: {  	_ =	strace s18  }
0x93: {  	s3 =	sld [smem:$0x3FFC];
	_ =	sdelay $0x3  }
0x94: {  	_ =	strace s3  }
0x95: {  	s3 =	sld [smem:$0x3FFD];
	_ =	sdelay $0x3  }
0x96: {  	_ =	strace s3  }
0x97: {  	_ =	strace $0x8FFFFFFF  }
0x98: {  	s19 =	sld [smem:$0x3FDB];
	_ =	sdelay $0x1  }
0x99: {  	s4 =	simm.s32 $_scs_section_size  }
0x9a: {  	s5 =	simm.s32 $_size__tile_overlayer_lowered;
	s6 =	simm.s32 $_tile_overlayer_lowered  }
0x9b: {  	s22 =	simm.s32 $0x1BFF;
	s21 =	sshll.u32 s6, $0x1;
	s3 =	sadd.s32 s4, s19  }
0x9c: {  	s7 =	simm.s32 $0x0;
	s20 =	sshll.u32 s5, $0x1;
	s5 =	sadd.s32 s21, s3  }
0x9d: {  	[timem:s7], [sflag:s22] =	dma.local [hbm:s5], s20  }
0x9e: {  	_ =	swait.ge [sflag:s22], s20  }
0x9f: {  	s4 =	ssub.s32 $0x0, s20;
	[sflag:s22] =	ssyncset.done $0x0  }
0xa0: {  	[sflag:s22] =	ssyncadd.s32 s4;
	_ =	sdelay $0x1  }
0xa1: {  	s23 =	simm.s32 $0x1B8B  }
0xa2: {  	_ =	swait.ge [sflag:s23], $0x1  }
0xa3: {  	[sflag:s23] =	ssyncset.done $0x0  }
0xa4: {  	s25 =	simm.s32 $0x1B8E;
	s24 =	sld [smem:$0x3FFE];
	[sflag:s23] =	ssyncadd.s32 $0xFFFFFFFF  }
0xa5: {  	s26 =	simm.s32 $execute0_lowered;
	[smem:$0x3FD2] =	sst s25  }
0xa6: {  	s5 =	sshll.u32 s26, $0x1;
	_ =	strace $0x80000046;
	[dreg:$0x1] =	wrdreg $0xFFFFFFFF  }
0xa7: {  	s28 =	simm.s32 $_size_execute0_lowered;
	s3 =	sadd.s32 s3, s5;
	[dreg:$0x0] =	wrdreg $0x0  }
0xa8: {  	s5 =	sshll.u32 s28, $0x1;
	[dreg:$0x2] =	wrdreg s3  }
0xa9: {  	[dreg:$0x3] =	wrdreg s5  }
0xaa: {  	[dreg:$0x4] =	wrdreg $0xC0  }
0xab: {  	_ =	task [dreg:s7], $0x5FFFF  }
0xac: {  	[dreg:$0x1] =	wrdreg $0xFFFFFFFF  }
0xad: {  	[dreg:$0x0] =	wrdreg $0x60  }
0xae: {  	[dreg:$0x2] =	wrdreg s2  }
0xaf: {  	[dreg:$0x3] =	wrdreg s24  }
0xb0: {  	[dreg:$0x4] =	wrdreg $0x52000  }
0xb1: {  	[dreg:$0x5] =	wrdreg $0x9  }
0xb2: {  	_ =	task.clear_ibuf [dreg:s7], $0x6FFFF;
	_ =	strace $0x90000046  }
0xb3: {  	s29 =	simm.s32 $0x9;
	_ =	strace $0x80000048  }
0xb4: {  	_ =	swait.ge [sflag:s29], $0x1  }
0xb5: {  	[sflag:s29] =	ssyncadd.s32 $0xFFFFFFFF  }
0xb6: {  	_ =	strace $0x90000048  }
0xb7: {  	_ =	sfence  }
0xb8: {  	s30 =	sld [smem:$0x0];
	_ =	sdelay $0x2  }
0xb9: {  	s31 =	sshll.u32 s1, $0xD;
	s1 =	sshrl.u32 s1, $0x2  }
0xba: {  	s3 =	sand.u32 $0x4000, s31;
	s1 =	sadd.s32 s1, s30  }
0xbb: {  	s0 =	sor.u32 s3, s0;
	s1 =	sshll.u32 s1, $0x11  }
0xbc: {  	s0 =	sor.u32 s1, s0  }
0xbd: {  	s0 =	sadd.s32 $0x8F2B, s0  }
0xbe: {  	[sflag:s0] =	ssyncadd.remote.s32 $0x1  }
0xbf: {  	_ =	sfence.sel $0xFFFF  }
0xc0: {  	[dreg:$0x0] =	wrdreg $0xFFFFFFFF;
	(pc) =	sbr.abs _section_cstart, $3  }
0xc1: {  	[dreg:$0x1] =	wrdreg $0xFFFFFFFF  }
0xc2: {  	_ =	task.clear_ibuf [dreg:s7], $0x2FFFF;
	_ =	strace $0x9FFFFFFF  }
0xc3: {  	(tm) =	ssettm $0x7FFFFFFF  }
tec
execute0_lowered:
.L_overlay_start_1:
0x0: {  	(tag) =	ssettag $0x1  }
0x1: {  	s2 =	srdreg.scid  }
0x2: {  	s0 =	rddreg [dreg:$0x1];
	s17 =	stileid.u32  }
0x3: {  	s1 =	simm.s32 $0x0;
	s5 =	sand.u32 $0x1, s2;
	s9 =	smul.u32 $0x280, s17  }
0x4: {  	[smem:$0x7FF] =	sst s1;
	s8 =	sadd.s32 $0x14200, s0;
	s15 =	smul.u32 $0x2800, s17  }
0x5: {  	s6 =	sadd.s32 $0x3C200, s0;
	s2 =	ssub.s32 $0x2, s5;
	s11 =	smul.u32 $0x140000, s5  }
0x6: {  	s14 =	sshll.u32 s5, $0x4;
	s5 =	smul.u32 $0x27600, s5;
	s3 =	sshrl.u32 s2, $0x1  }
0x7: {  	s10 =	sor.u32 s17, s14;
	s4 =	sor.u32 $0x50, s9;
	s12 =	sadd.s32 $0xA0, s9  }
0x8: {  	s20 =	sadd.s32 $0xF0, s9;
	s13 =	sadd.s32 $0x140, s9;
	s23 =	sadd.s32 $0x190, s9  }
0x9: {  	s2 =	ssub.s32 s2, s3;
	s7 =	sshll.u32 s4, $0x4;
	s3 =	sadd.s32 s8, s15  }
0xa: {  	s18 =	sshll.u32 s12, $0x4;
	s21 =	sshll.u32 s20, $0x4;
	s22 =	sshll.u32 s13, $0x4  }
0xb: {  	s14 =	sshll.u32 s23, $0x4;
	s15 =	sadd.s32 $0x1E0, s9;
	s9 =	sadd.s32 $0x230, s9  }
0xc: {  	s10 =	smul.u32 $0x2760, s10;
	[dreg:$0x4] =	wrdreg s3;
	s16 =	sadd.s32 s8, s7  }
0xd: {  	s3 =	sshll.u32 s4, $0x7;
	s19 =	sadd.s32 s8, s18;
	s4 =	sshll.u32 s12, $0x7  }
0xe: {  	s12 =	sadd.s32 s8, s21;
	s7 =	sshll.u32 s20, $0x7;
	[dreg:$0x5] =	wrdreg s16  }
0xf: {  	s14 =	sadd.s32 s8, s14;
	s24 =	sshll.u32 s15, $0x4;
	[dreg:$0x6] =	wrdreg s19  }
0x10: {  	s15 =	sshll.u32 s15, $0x7;
	s26 =	sshll.u32 s9, $0x4;
	[dreg:$0x7] =	wrdreg s12  }
0x11: {  	s12 =	sadd.s32 s8, s22;
	s16 =	smul.u32 $0x14000, s17;
	[dreg:$0x9] =	wrdreg s14  }
0x12: {  	s14 =	sadd.s32 s8, s24;
	s8 =	sadd.s32 s8, s26;
	[dreg:$0x8] =	wrdreg s12  }
0x13: {  	s18 =	sadd.s32 s11, s7;
	s12 =	sshll.u32 s13, $0x7;
	[dreg:$0xa] =	wrdreg s14  }
0x14: {  	s13 =	sshll.u32 s23, $0x7;
	[dreg:$0xb] =	wrdreg s8;
	s8 =	sshll.u32 s9, $0x7  }
0x15: {  	s23 =	sadd.s32 s11, s15;
	s25 =	sadd.s32 s11, s16;
	s16 =	sadd.s32 s11, s4  }
0x16: {  	s21 =	sadd.s32 s11, s12;
	s22 =	sadd.s32 s11, s13;
	s14 =	sshrl.u32 s25, $0x3  }
0x17: {  	s26 =	sadd.s32 s11, s8;
	s29 =	sadd.s32 s6, s14;
	s14 =	sadd.s32 s11, s3  }
0x18: {  	s11 =	simm.s32 $0x50;
	[dreg:$0xc] =	wrdreg s29;
	s9 =	sshrl.u32 s14, $0x3  }
0x19: {  	s14 =	sshrl.u32 s16, $0x3;
	s16 =	sshrl.u32 s18, $0x3;
	s29 =	smul.u32 $0x2760, s17  }
0x1a: {  	s18 =	rddreg [dreg:$0x0];
	s17 =	smul.u32 $0x50000, s17;
	s9 =	sadd.s32 s6, s9  }
0x1b: {  	s19 =	sadd.s32 s6, s14;
	s20 =	sadd.s32 s6, s16;
	[dreg:$0xd] =	wrdreg s9  }
0x1c: {  	s14 =	sshrl.u32 s22, $0x3;
	s16 =	sshrl.u32 s23, $0x3;
	[dreg:$0xe] =	wrdreg s19  }
0x1d: {  	s22 =	sadd.s32 $0x600, s0;
	[dreg:$0xf] =	wrdreg s20;
	s9 =	sshrl.u32 s21, $0x3  }
0x1e: {  	s24 =	sadd.s32 s6, s14;
	s25 =	sadd.s32 s6, s16;
	s19 =	rddreg [dreg:$0x2]  }
0x1f: {  	s14 =	sadd.s32 s29, s5;
	s21 =	sadd.s32 $0xA400, s0;
	s16 =	sshrl.u32 s10, $0x3  }
0x20: {  	s10 =	simm.s32 $0x80;
	s9 =	sadd.s32 s6, s9;
	[dreg:$0x11] =	wrdreg s24  }
0x21: {  	[dreg:$0x12] =	wrdreg s25;
	s20 =	sadd.s32 s22, s16;
	s0 =	sadd.s32 $0xA, s16  }
0x22: {  	s24 =	sshrl.u32 s17, $0x2;
	s25 =	smax.u32 s2, $0x1;
	s30 =	sadd.s32 s3, s19  }
0x23: {  	s31 =	sadd.s32 s4, s19;
	s17 =	sadd.s32 s7, s19;
	s2 =	sadd.s32 s13, s19  }
0x24: {  	s3 =	sadd.s32 s15, s19;
	s4 =	sadd.s32 s8, s19;
	s7 =	sadd.s32 $0xA0, s14  }
0x25: {  	s8 =	simm.s32 $0x200;
	[dreg:$0x10] =	wrdreg s9;
	s9 =	sshrl.u32 s26, $0x3  }
0x26: {  	s13 =	simm.s32 $0x180;
	s15 =	simm.s32 $0x1;
	s6 =	sadd.s32 s6, s9  }
0x27: {  	s23 =	sadd.s32 s21, s0;
	[dreg:$0x13] =	wrdreg s6;
	s6 =	sadd.s32 s21, s16  }
0x28: {  	s0 =	sadd.s32 s22, s0;
	_ =	strace $0x80000047;
	[dreg:$0x14] =	wrdreg s6  }
0x29: {  	s28 =	sadd.s32 s24, s19;
	s26 =	sadd.s32 $0xF0, s14;
	[dreg:$0x15] =	wrdreg s20  }
0x2a: {  	s14 =	simm.s32 $0x2A00;
	s29 =	sshrl.u32 s26, $0x3;
	[dreg:$0x16] =	wrdreg s23  }
0x2b: {  	s9 =	simm.s32 $0x3;
	s5 =	sadd.s32 s29, s22;
	[dreg:$0x17] =	wrdreg s0  }
0x2c: {  	s16 =	simm.s32 $0x2;
	[dreg:$0x18] =	wrdreg s25;
	s0 =	sadd.s32 s12, s19  }
0x2d: {  	s6 =	sadd.s32 s29, s21;
	s12 =	simm.s32 $0x100;
	s20 =	simm.s32 $0x0  }
.LBB2_1:
0x2e: {  	s23 =	rddreg [dreg:$0x4]  }
0x2f: {  	[tilespmem:s8], [sflag:$0x3] =	stream.linear.gather [hbm4b:s23+s1], $0x2800, $0x38;
	[tilespmem:$0x19200] =	vst v63  }
0x30: {  	_ =	swait.ge [sflag:s9], $0x2800  }
0x31: {  	[sflag:s9] =	ssyncset.done $0x0  }
0x32: {  	[sflag:s9] =	ssyncadd.s32 $0xFFFFD800  }
0x33: {  	[spmem:s28] =	stream.linear.scatter [tilespmem:s8], [sflag:$0x3], $0x2800, $0x38;
	[tilespmem:$0x19200] =	vst v63  }
0x34: {  	_ =	swait.ge [sflag:s9], $0x2800  }
0x35: {  	[sflag:s9] =	ssyncset.done $0x0  }
0x36: {  	s26 =	rddreg [dreg:$0x5];
	[sflag:s9] =	ssyncadd.s32 $0xFFFFD800  }
0x37: {  	[tilespmem:s8], [sflag:$0x3] =	stream.linear.gather [hbm4b:s26+s1], $0x2800, $0x38;
	[tilespmem:$0x19200] =	vst v63  }
0x38: {  	_ =	swait.ge [sflag:s9], $0x2800  }
0x39: {  	[sflag:s9] =	ssyncset.done $0x0  }
0x3a: {  	[sflag:s9] =	ssyncadd.s32 $0xFFFFD800  }
0x3b: {  	[spmem:s30] =	stream.linear.scatter [tilespmem:s8], [sflag:$0x3], $0x2800, $0x38;
	[tilespmem:$0x19200] =	vst v63  }
0x3c: {  	_ =	swait.ge [sflag:s9], $0x2800  }
0x3d: {  	[sflag:s9] =	ssyncset.done $0x0  }
0x3e: {  	s29 =	rddreg [dreg:$0x6];
	[sflag:s9] =	ssyncadd.s32 $0xFFFFD800  }
0x3f: {  	[tilespmem:s8], [sflag:$0x3] =	stream.linear.gather [hbm4b:s29+s1], $0x2800, $0x38;
	[tilespmem:$0x19200] =	vst v63  }
0x40: {  	_ =	swait.ge [sflag:s9], $0x2800  }
0x41: {  	[sflag:s9] =	ssyncset.done $0x0  }
0x42: {  	[sflag:s9] =	ssyncadd.s32 $0xFFFFD800  }
0x43: {  	[spmem:s31] =	stream.linear.scatter [tilespmem:s8], [sflag:$0x3], $0x2800, $0x38;
	[tilespmem:$0x19200] =	vst v63  }
0x44: {  	_ =	swait.ge [sflag:s9], $0x2800  }
0x45: {  	[sflag:s9] =	ssyncset.done $0x0  }
0x46: {  	s24 =	rddreg [dreg:$0x7];
	[sflag:s9] =	ssyncadd.s32 $0xFFFFD800  }
0x47: {  	[tilespmem:s8], [sflag:$0x3] =	stream.linear.gather [hbm4b:s24+s1], $0x2800, $0x38;
	[tilespmem:$0x19200] =	vst v63  }
0x48: {  	_ =	swait.ge [sflag:s9], $0x2800  }
0x49: {  	[sflag:s9] =	ssyncset.done $0x0  }
0x4a: {  	[sflag:s9] =	ssyncadd.s32 $0xFFFFD800  }
0x4b: {  	[spmem:s17] =	stream.linear.scatter [tilespmem:s8], [sflag:$0x3], $0x2800, $0x38;
	[tilespmem:$0x19200] =	vst v63  }
0x4c: {  	_ =	swait.ge [sflag:s9], $0x2800  }
0x4d: {  	[sflag:s9] =	ssyncset.done $0x0  }
0x4e: {  	s25 =	rddreg [dreg:$0x8];
	[sflag:s9] =	ssyncadd.s32 $0xFFFFD800  }
0x4f: {  	[tilespmem:s8], [sflag:$0x3] =	stream.linear.gather [hbm4b:s25+s1], $0x2800, $0x38;
	[tilespmem:$0x19200] =	vst v63  }
0x50: {  	_ =	swait.ge [sflag:s9], $0x2800  }
0x51: {  	[sflag:s9] =	ssyncset.done $0x0  }
0x52: {  	[sflag:s9] =	ssyncadd.s32 $0xFFFFD800  }
0x53: {  	[spmem:s0] =	stream.linear.scatter [tilespmem:s8], [sflag:$0x3], $0x2800, $0x38;
	[tilespmem:$0x19200] =	vst v63  }
0x54: {  	_ =	swait.ge [sflag:s9], $0x2800  }
0x55: {  	[sflag:s9] =	ssyncset.done $0x0  }
0x56: {  	s26 =	rddreg [dreg:$0x9];
	[sflag:s9] =	ssyncadd.s32 $0xFFFFD800  }
0x57: {  	[tilespmem:s8], [sflag:$0x3] =	stream.linear.gather [hbm4b:s26+s1], $0x2800, $0x38;
	[tilespmem:$0x19200] =	vst v63  }
0x58: {  	_ =	swait.ge [sflag:s9], $0x2800  }
0x59: {  	[sflag:s9] =	ssyncset.done $0x0  }
0x5a: {  	[sflag:s9] =	ssyncadd.s32 $0xFFFFD800  }
0x5b: {  	[spmem:s2] =	stream.linear.scatter [tilespmem:s8], [sflag:$0x3], $0x2800, $0x38;
	[tilespmem:$0x19200] =	vst v63  }
0x5c: {  	_ =	swait.ge [sflag:s9], $0x2800  }
0x5d: {  	[sflag:s9] =	ssyncset.done $0x0  }
0x5e: {  	s29 =	rddreg [dreg:$0xa];
	[sflag:s9] =	ssyncadd.s32 $0xFFFFD800  }
0x5f: {  	[tilespmem:s8], [sflag:$0x3] =	stream.linear.gather [hbm4b:s29+s1], $0x2800, $0x38;
	[tilespmem:$0x19200] =	vst v63  }
0x60: {  	_ =	swait.ge [sflag:s9], $0x2800  }
0x61: {  	[sflag:s9] =	ssyncset.done $0x0  }
0x62: {  	[sflag:s9] =	ssyncadd.s32 $0xFFFFD800  }
0x63: {  	[spmem:s3] =	stream.linear.scatter [tilespmem:s8], [sflag:$0x3], $0x2800, $0x38;
	[tilespmem:$0x19200] =	vst v63  }
0x64: {  	_ =	swait.ge [sflag:s9], $0x2800  }
0x65: {  	[sflag:s9] =	ssyncset.done $0x0  }
0x66: {  	s24 =	rddreg [dreg:$0xb];
	[sflag:s9] =	ssyncadd.s32 $0xFFFFD800  }
0x67: {  	[tilespmem:s8], [sflag:$0x3] =	stream.linear.gather [hbm4b:s24+s1], $0x2800, $0x38;
	[tilespmem:$0x19200] =	vst v63  }
0x68: {  	_ =	swait.ge [sflag:s9], $0x2800  }
0x69: {  	[sflag:s9] =	ssyncset.done $0x0  }
0x6a: {  	[sflag:s9] =	ssyncadd.s32 $0xFFFFD800  }
0x6b: {  	[spmem:s4] =	stream.linear.scatter [tilespmem:s8], [sflag:$0x3], $0x2800, $0x38;
	[tilespmem:$0x19200] =	vst v63  }
0x6c: {  	_ =	swait.ge [sflag:s9], $0x2800  }
0x6d: {  	[sflag:s9] =	ssyncset.done $0x0  }
0x6e: {  	[sflag:s9] =	ssyncadd.s32 $0xFFFFD800  }
0x6f: {  	[bflag:$0x0] =	sbarrier.arrive $0xFFFF  }
0x70: {  	s25 =	rddreg [dreg:$0x14]  }
0x71: {  	[tilespmem:s1], [sflag:$0x3] =	stream.linear.gather [hbm4b:s25+s1], $0x50, $0x38;
	[tilespmem:$0x19200] =	vst v63  }
0x72: {  	_ =	swait.ge [sflag:s9], $0x50  }
0x73: {  	[sflag:s9] =	ssyncset.done $0x0  }
0x74: {  	s26 =	rddreg [dreg:$0x15];
	[sflag:s9] =	ssyncadd.s32 $0xFFFFFFB0  }
0x75: {  	[tilespmem:s10], [sflag:$0x3] =	stream.linear.gather [hbm4b:s26+s1], $0x50, $0x38;
	[tilespmem:$0x19200] =	vst v63  }
0x76: {  	_ =	swait.ge [sflag:s9], $0x50  }
0x77: {  	[sflag:s9] =	ssyncset.done $0x0  }
0x78: {  	[sflag:s9] =	ssyncadd.s32 $0xFFFFFFB0  }
0x79: {  	[tilespmem:s8], [sflag:$0x1] =	stream.indirect.gather [hbm4b:s18+s11], $0x80, s1, s11, $0xb8;
	[tilespmem:$0x19200] =	vst v63  }
0x7a: {  	s29 =	rddreg [dreg:$0x16]  }
0x7b: {  	[tilespmem:s12], [sflag:$0x3] =	stream.linear.gather [hbm4b:s29+s1], $0x50, $0x38;
	[tilespmem:$0x19200] =	vst v63  }
0x7c: {  	_ =	swait.ge [sflag:s9], $0x50  }
0x7d: {  	[sflag:s9] =	ssyncset.done $0x0  }
0x7e: {  	s24 =	rddreg [dreg:$0x17];
	[sflag:s9] =	ssyncadd.s32 $0xFFFFFFB0  }
0x7f: {  	[tilespmem:s13], [sflag:$0x3] =	stream.linear.gather [hbm4b:s24+s1], $0x50, $0x38;
	[tilespmem:$0x19200] =	vst v63  }
0x80: {  	_ =	swait.ge [sflag:s9], $0x50  }
0x81: {  	[sflag:s9] =	ssyncset.done $0x0  }
0x82: {  	[sflag:s9] =	ssyncadd.s32 $0xFFFFFFB0  }
0x83: {  	[tilespmem:s14], [sflag:$0x2] =	stream.indirect.gather [hbm4b:s18+s11], $0x80, s12, s11, $0xb8;
	[tilespmem:$0x19200] =	vst v63  }
0x84: {  	_ =	swait.ge [sflag:s15], $0x2800  }
0x85: {  	[sflag:s15] =	ssyncset.done $0x0  }
0x86: {  	[sflag:s15] =	ssyncadd.s32 $0xFFFFD800  }
0x87: {  	[spmem:s19] =	stream.indirect.scatter.add.f32 [tilespmem:s8], [sflag:$0x3], $0x80, s10, s11, $0xb8;
	[tilespmem:$0x19200] =	vst v63  }
0x88: {  	_ =	swait.ge [sflag:s9], $0x2800  }
0x89: {  	s25 =	sshrl.u32 s7, $0x3;
	[sflag:s9] =	ssyncset.done $0x0  }
0x8a: {  	s24 =	sadd.s32 s21, s25;
	[sflag:s9] =	ssyncadd.s32 $0xFFFFD800  }
0x8b: {  	[tilespmem:s1], [sflag:$0x3] =	stream.linear.gather [hbm4b:s24+s1], $0x50, $0x38;
	[tilespmem:$0x19200] =	vst v63  }
0x8c: {  	_ =	swait.ge [sflag:s9], $0x50  }
0x8d: {  	[sflag:s9] =	ssyncset.done $0x0  }
0x8e: {  	s23 =	sadd.s32 s22, s25;
	[sflag:s9] =	ssyncadd.s32 $0xFFFFFFB0  }
0x8f: {  	[tilespmem:s10], [sflag:$0x3] =	stream.linear.gather [hbm4b:s23+s1], $0x50, $0x38;
	[tilespmem:$0x19200] =	vst v63  }
0x90: {  	_ =	swait.ge [sflag:s9], $0x50  }
0x91: {  	[sflag:s9] =	ssyncset.done $0x0  }
0x92: {  	[sflag:s9] =	ssyncadd.s32 $0xFFFFFFB0  }
0x93: {  	[tilespmem:s8], [sflag:$0x1] =	stream.indirect.gather [hbm4b:s18+s11], $0x80, s1, s11, $0xb8;
	[tilespmem:$0x19200] =	vst v63  }
0x94: {  	_ =	swait.ge [sflag:s16], $0x2800  }
0x95: {  	[sflag:s16] =	ssyncset.done $0x0  }
0x96: {  	[sflag:s16] =	ssyncadd.s32 $0xFFFFD800  }
0x97: {  	[spmem:s19] =	stream.indirect.scatter.add.f32 [tilespmem:s14], [sflag:$0x3], $0x80, s13, s11, $0xb8;
	[tilespmem:$0x19200] =	vst v63  }
0x98: {  	_ =	swait.ge [sflag:s9], $0x2800  }
0x99: {  	[sflag:s9] =	ssyncset.done $0x0  }
0x9a: {  	s26 =	sadd.s32 $0x0, s6;
	[sflag:s9] =	ssyncadd.s32 $0xFFFFD800  }
0x9b: {  	[tilespmem:s12], [sflag:$0x3] =	stream.linear.gather [hbm4b:s26+s1], $0x50, $0x38;
	[tilespmem:$0x19200] =	vst v63  }
0x9c: {  	_ =	swait.ge [sflag:s9], $0x50  }
0x9d: {  	[sflag:s9] =	ssyncset.done $0x0  }
0x9e: {  	s29 =	sadd.s32 $0x0, s5;
	[sflag:s9] =	ssyncadd.s32 $0xFFFFFFB0  }
0x9f: {  	[tilespmem:s13], [sflag:$0x3] =	stream.linear.gather [hbm4b:s29+s1], $0x50, $0x38;
	[tilespmem:$0x19200] =	vst v63  }
0xa0: {  	_ =	swait.ge [sflag:s9], $0x50  }
0xa1: {  	[sflag:s9] =	ssyncset.done $0x0  }
0xa2: {  	s24 =	sadd.s32 $0xA0, s7;
	s23 =	simm.s32 $0x14;
	[sflag:s9] =	ssyncadd.s32 $0xFFFFFFB0  }
.LBB2_2:
0xa3: {  	[tilespmem:s14], [sflag:$0x2] =	stream.indirect.gather [hbm4b:s18+s11], $0x80, s12, s11, $0xb8;
	[tilespmem:$0x19200] =	vst v63  }
0xa4: {  	s25 =	smov.u32 s23  }
0xa5: {  	p0 =	sne.s32 s23, $0x4C4;
	s23 =	sadd.s32 $0x14, s23;
	_ =	swait.ge [sflag:s15], $0x2800  }
0xa6: {  	[sflag:s15] =	ssyncset.done $0x0  }
0xa7: {  	[sflag:s15] =	ssyncadd.s32 $0xFFFFD800  }
0xa8: {  	[spmem:s19] =	stream.indirect.scatter.add.f32 [tilespmem:s8], [sflag:$0x3], $0x80, s10, s11, $0xb8;
	[tilespmem:$0x19200] =	vst v63  }
0xa9: {  	_ =	swait.ge [sflag:s9], $0x2800  }
0xaa: {  	s26 =	sshrl.u32 s24, $0x3;
	[sflag:s9] =	ssyncset.done $0x0  }
0xab: {  	s29 =	sadd.s32 s21, s26;
	[sflag:s9] =	ssyncadd.s32 $0xFFFFD800  }
0xac: {  	[tilespmem:s1], [sflag:$0x3] =	stream.linear.gather [hbm4b:s29+s1], $0x50, $0x38;
	[tilespmem:$0x19200] =	vst v63  }
0xad: {  	_ =	swait.ge [sflag:s9], $0x50  }
0xae: {  	[sflag:s9] =	ssyncset.done $0x0  }
0xaf: {  	s26 =	sadd.s32 s22, s26;
	[sflag:s9] =	ssyncadd.s32 $0xFFFFFFB0  }
0xb0: {  	[tilespmem:s10], [sflag:$0x3] =	stream.linear.gather [hbm4b:s26+s1], $0x50, $0x38;
	[tilespmem:$0x19200] =	vst v63  }
0xb1: {  	_ =	swait.ge [sflag:s9], $0x50  }
0xb2: {  	[sflag:s9] =	ssyncset.done $0x0  }
0xb3: {  	[sflag:s9] =	ssyncadd.s32 $0xFFFFFFB0  }
0xb4: {  	[tilespmem:s8], [sflag:$0x1] =	stream.indirect.gather [hbm4b:s18+s11], $0x80, s1, s11, $0xb8;
	[tilespmem:$0x19200] =	vst v63  }
0xb5: {  	_ =	swait.ge [sflag:s16], $0x2800  }
0xb6: {  	[sflag:s16] =	ssyncset.done $0x0  }
0xb7: {  	[sflag:s16] =	ssyncadd.s32 $0xFFFFD800  }
0xb8: {  	[spmem:s19] =	stream.indirect.scatter.add.f32 [tilespmem:s14], [sflag:$0x3], $0x80, s13, s11, $0xb8;
	[tilespmem:$0x19200] =	vst v63  }
0xb9: {  	_ =	swait.ge [sflag:s9], $0x2800  }
0xba: {  	[sflag:s9] =	ssyncset.done $0x0  }
0xbb: {  	s26 =	sadd.s32 s25, s6;
	[sflag:s9] =	ssyncadd.s32 $0xFFFFD800  }
0xbc: {  	[tilespmem:s12], [sflag:$0x3] =	stream.linear.gather [hbm4b:s26+s1], $0x50, $0x38;
	[tilespmem:$0x19200] =	vst v63  }
0xbd: {  	_ =	swait.ge [sflag:s9], $0x50  }
0xbe: {  	[sflag:s9] =	ssyncset.done $0x0  }
.Ltmp0:
0xbf: {  	s25 =	sadd.s32 s25, s5;
	[sflag:s9] =	ssyncadd.s32 $0xFFFFFFB0;
	(pc) =	sbr.rel @p0 .LBB2_2-.Ltmp0, $4  }
0xc0: {  	[tilespmem:s13], [sflag:$0x3] =	stream.linear.gather [hbm4b:s25+s1], $0x50, $0x38;
	[tilespmem:$0x19200] =	vst v63  }
0xc1: {  	_ =	swait.ge [sflag:s9], $0x50  }
0xc2: {  	[sflag:s9] =	ssyncset.done $0x0  }
0xc3: {  	s24 =	sadd.s32 $0xA0, s24;
	[sflag:s9] =	ssyncadd.s32 $0xFFFFFFB0  }
0xc4: {  	[tilespmem:s14], [sflag:$0x2] =	stream.indirect.gather [hbm4b:s18+s11], $0x80, s12, s11, $0xb8;
	[tilespmem:$0x19200] =	vst v63  }
0xc5: {  	_ =	swait.ge [sflag:s15], $0x2800  }
0xc6: {  	[sflag:s15] =	ssyncset.done $0x0  }
0xc7: {  	[sflag:s15] =	ssyncadd.s32 $0xFFFFD800  }
0xc8: {  	[spmem:s19] =	stream.indirect.scatter.add.f32 [tilespmem:s8], [sflag:$0x3], $0x80, s10, s11, $0xb8;
	[tilespmem:$0x19200] =	vst v63  }
0xc9: {  	_ =	swait.ge [sflag:s9], $0x2800  }
0xca: {  	[sflag:s9] =	ssyncset.done $0x0  }
0xcb: {  	[sflag:s9] =	ssyncadd.s32 $0xFFFFD800  }
0xcc: {  	_ =	swait.ge [sflag:s16], $0x2800  }
0xcd: {  	[sflag:s16] =	ssyncset.done $0x0  }
0xce: {  	[sflag:s16] =	ssyncadd.s32 $0xFFFFD800  }
0xcf: {  	[spmem:s19] =	stream.indirect.scatter.add.f32 [tilespmem:s14], [sflag:$0x3], $0x80, s13, s11, $0xb8;
	[tilespmem:$0x19200] =	vst v63  }
0xd0: {  	_ =	swait.ge [sflag:s9], $0x2800  }
0xd1: {  	[sflag:s9] =	ssyncset.done $0x0  }
0xd2: {  	[sflag:s9] =	ssyncadd.s32 $0xFFFFD800  }
0xd3: {  	[bflag:$0x0] =	sbarrier.arrive $0xFFFF  }
0xd4: {  	[tilespmem:s8], [sflag:$0x3] =	stream.linear.gather [spmem:s28], $0x2800, $0x38;
	[tilespmem:$0x19200] =	vst v63  }
0xd5: {  	_ =	swait.ge [sflag:s9], $0x2800  }
0xd6: {  	[sflag:s9] =	ssyncset.done $0x0  }
0xd7: {  	s23 =	rddreg [dreg:$0xc];
	[sflag:s9] =	ssyncadd.s32 $0xFFFFD800  }
0xd8: {  	[hbm4b:s23+s1] =	stream.linear.scatter [tilespmem:s8], [sflag:$0x3], $0x2800, $0x38;
	[tilespmem:$0x19200] =	vst v63  }
0xd9: {  	_ =	swait.ge [sflag:s9], $0x2800  }
0xda: {  	[sflag:s9] =	ssyncset.done $0x0  }
0xdb: {  	[sflag:s9] =	ssyncadd.s32 $0xFFFFD800  }
0xdc: {  	[tilespmem:s8], [sflag:$0x3] =	stream.linear.gather [spmem:s30], $0x2800, $0x38;
	[tilespmem:$0x19200] =	vst v63  }
0xdd: {  	_ =	swait.ge [sflag:s9], $0x2800  }
0xde: {  	[sflag:s9] =	ssyncset.done $0x0  }
0xdf: {  	s24 =	rddreg [dreg:$0xd];
	[sflag:s9] =	ssyncadd.s32 $0xFFFFD800  }
0xe0: {  	[hbm4b:s24+s1] =	stream.linear.scatter [tilespmem:s8], [sflag:$0x3], $0x2800, $0x38;
	[tilespmem:$0x19200] =	vst v63  }
0xe1: {  	_ =	swait.ge [sflag:s9], $0x2800  }
0xe2: {  	[sflag:s9] =	ssyncset.done $0x0  }
0xe3: {  	[sflag:s9] =	ssyncadd.s32 $0xFFFFD800  }
0xe4: {  	[tilespmem:s8], [sflag:$0x3] =	stream.linear.gather [spmem:s31], $0x2800, $0x38;
	[tilespmem:$0x19200] =	vst v63  }
0xe5: {  	_ =	swait.ge [sflag:s9], $0x2800  }
0xe6: {  	[sflag:s9] =	ssyncset.done $0x0  }
0xe7: {  	s25 =	rddreg [dreg:$0xe];
	[sflag:s9] =	ssyncadd.s32 $0xFFFFD800  }
0xe8: {  	[hbm4b:s25+s1] =	stream.linear.scatter [tilespmem:s8], [sflag:$0x3], $0x2800, $0x38;
	[tilespmem:$0x19200] =	vst v63  }
0xe9: {  	_ =	swait.ge [sflag:s9], $0x2800  }
0xea: {  	[sflag:s9] =	ssyncset.done $0x0  }
0xeb: {  	[sflag:s9] =	ssyncadd.s32 $0xFFFFD800  }
0xec: {  	[tilespmem:s8], [sflag:$0x3] =	stream.linear.gather [spmem:s17], $0x2800, $0x38;
	[tilespmem:$0x19200] =	vst v63  }
0xed: {  	_ =	swait.ge [sflag:s9], $0x2800  }
0xee: {  	[sflag:s9] =	ssyncset.done $0x0  }
0xef: {  	s26 =	rddreg [dreg:$0xf];
	[sflag:s9] =	ssyncadd.s32 $0xFFFFD800  }
0xf0: {  	[hbm4b:s26+s1] =	stream.linear.scatter [tilespmem:s8], [sflag:$0x3], $0x2800, $0x38;
	[tilespmem:$0x19200] =	vst v63  }
0xf1: {  	_ =	swait.ge [sflag:s9], $0x2800  }
0xf2: {  	[sflag:s9] =	ssyncset.done $0x0  }
0xf3: {  	[sflag:s9] =	ssyncadd.s32 $0xFFFFD800  }
0xf4: {  	[tilespmem:s8], [sflag:$0x3] =	stream.linear.gather [spmem:s0], $0x2800, $0x38;
	[tilespmem:$0x19200] =	vst v63  }
0xf5: {  	_ =	swait.ge [sflag:s9], $0x2800  }
0xf6: {  	[sflag:s9] =	ssyncset.done $0x0  }
0xf7: {  	s29 =	rddreg [dreg:$0x10];
	[sflag:s9] =	ssyncadd.s32 $0xFFFFD800  }
0xf8: {  	[hbm4b:s29+s1] =	stream.linear.scatter [tilespmem:s8], [sflag:$0x3], $0x2800, $0x38;
	[tilespmem:$0x19200] =	vst v63  }
0xf9: {  	_ =	swait.ge [sflag:s9], $0x2800  }
0xfa: {  	[sflag:s9] =	ssyncset.done $0x0  }
0xfb: {  	[sflag:s9] =	ssyncadd.s32 $0xFFFFD800  }
0xfc: {  	[tilespmem:s8], [sflag:$0x3] =	stream.linear.gather [spmem:s2], $0x2800, $0x38;
	[tilespmem:$0x19200] =	vst v63  }
0xfd: {  	_ =	swait.ge [sflag:s9], $0x2800  }
0xfe: {  	[sflag:s9] =	ssyncset.done $0x0  }
0xff: {  	s24 =	rddreg [dreg:$0x11];
	[sflag:s9] =	ssyncadd.s32 $0xFFFFD800  }
0x100: {  	[hbm4b:s24+s1] =	stream.linear.scatter [tilespmem:s8], [sflag:$0x3], $0x2800, $0x38;
	[tilespmem:$0x19200] =	vst v63  }
0x101: {  	_ =	swait.ge [sflag:s9], $0x2800  }
0x102: {  	[sflag:s9] =	ssyncset.done $0x0  }
0x103: {  	[sflag:s9] =	ssyncadd.s32 $0xFFFFD800  }
0x104: {  	[tilespmem:s8], [sflag:$0x3] =	stream.linear.gather [spmem:s3], $0x2800, $0x38;
	[tilespmem:$0x19200] =	vst v63  }
0x105: {  	_ =	swait.ge [sflag:s9], $0x2800  }
0x106: {  	[sflag:s9] =	ssyncset.done $0x0  }
0x107: {  	s25 =	rddreg [dreg:$0x12];
	[sflag:s9] =	ssyncadd.s32 $0xFFFFD800  }
0x108: {  	[hbm4b:s25+s1] =	stream.linear.scatter [tilespmem:s8], [sflag:$0x3], $0x2800, $0x38;
	[tilespmem:$0x19200] =	vst v63  }
0x109: {  	_ =	swait.ge [sflag:s9], $0x2800  }
0x10a: {  	[sflag:s9] =	ssyncset.done $0x0  }
0x10b: {  	[sflag:s9] =	ssyncadd.s32 $0xFFFFD800  }
0x10c: {  	[tilespmem:s8], [sflag:$0x3] =	stream.linear.gather [spmem:s4], $0x2800, $0x38;
	[tilespmem:$0x19200] =	vst v63  }
0x10d: {  	_ =	swait.ge [sflag:s9], $0x2800  }
0x10e: {  	[sflag:s9] =	ssyncset.done $0x0  }
0x10f: {  	s26 =	rddreg [dreg:$0x13];
	[sflag:s9] =	ssyncadd.s32 $0xFFFFD800  }
0x110: {  	[hbm4b:s26+s1] =	stream.linear.scatter [tilespmem:s8], [sflag:$0x3], $0x2800, $0x38;
	[tilespmem:$0x19200] =	vst v63  }
0x111: {  	_ =	swait.ge [sflag:s9], $0x2800  }
0x112: {  	s20 =	sadd.s32 $0x1, s20;
	s29 =	rddreg [dreg:$0x18]  }
0x113: {  	p0 =	sne.s32 s20, s29  }
.Ltmp1:
0x114: {  	_ = 	snop;
	(pc) =	sbr.rel @p0 .LBB2_1-.Ltmp1, $3  }
0x115: {  	_ =	sdelay $0x1  }
0x116: {  	[sflag:s9] =	ssyncset.done $0x0  }
0x117: {  	[sflag:s9] =	ssyncadd.s32 $0xFFFFD800  }
0x118: {  	_ =	sfence.sel $0x180000  }
0x119: {  	[bflag:$0x0] =	sbarrier.arrive $0xFFFF  }
0x11a: {  	_ =	strace $0x90000047  }
0x11b: {  	s0 =	stileid.u32;
	[bflag:$0x2] =	sbarrier.arrive $0xFFFF  }
0x11c: {  	p0 =	sne.s32 s0, $0x0;
	s0 =	rddreg [dreg:$0x3]  }
0x11d: {  	s0 =	sadd.s32 @!p0 $0x100000, s0  }
0x11e: {  	[sflag:s0] =	ssyncadd.tile.s32 @!p0 $0x1;
	_ =	shalt  }
.Lfunc_end2:
_tile_overlayer_lowered:
.L_overlay_start_2:
0x11f: {  	(tag) =	ssettag $0x2  }
0x120: {  	s0 =	rddreg [dreg:$0x0];
	s2 =	stileid.u32  }
0x121: {  	s1 =	rddreg [dreg:$0x1];
	p0 =	sne.s32 s2, $0x0  }
0x122: {  	s3 =	rddreg [dreg:$0x2];
	[bflag:$0x3] =	sbarrier.arrive $0xFFFF;
	s2 =	simm.s32 @!p0 $0x1C03  }
0x123: {  	[timem:s3], [sflag:s2] =	dma.local @!p0 [hbm:s0], s1  }
0x124: {  	s0 =	simm.s32 @!p0 $0x3  }
0x125: {  	_ =	swait.ge @!p0 [sflag:s0], s1  }
0x126: {  	s1 =	ssub.s32 @!p0 $0x0, s1;
	[sflag:s0] =	ssyncset.done @!p0 $0x0  }
0x127: {  	[sflag:s0] =	ssyncadd.s32 @!p0 s1  }
0x128: {  	[bflag:$0x3] =	sbarrier.arrive $0xFFFF  }
0x129: {  	_ =	shalt  }

</sc_bundles>
